<compile_context>
chip_gen: v7x
topology: tpu7x:2x2x1
jax: 0.10.2.dev20260603
libtpu: 0.0.44.dev20260713+nightly
codegen_flags: <defaults>
</compile_context>

<pallas_src>
import functools

import jax
import jax.numpy as jnp
from jax import lax
from jax.experimental import pallas as pl
from jax.experimental.pallas import tpu as pltpu
from jax.experimental.pallas import tpu_sc as plsc

N_NODES = 10000
NC = 2
NS = 16
NW = NC * NS
BLK = 125
RPT = 640
N_PAD = NS * RPT

_MESH = dict(core_axis_name="c", subcore_axis_name="s")
_SC_PARAMS = dict(
    mesh=plsc.VectorSubcoreMesh(**_MESH),
    compiler_params=pltpu.CompilerParams(needs_layout_passes=False,
                                         use_tc_tiling_on_sc=False),
)


def _sc_degree(edge_index):
    ept = edge_index.shape[1] // NW

    @functools.partial(
        pl.kernel,
        out_type=jax.ShapeDtypeStruct((NC, NS, N_NODES), jnp.float32),
        scratch_types=[
            pltpu.VMEM((ept,), jnp.int32),
            pltpu.VMEM((N_NODES,), jnp.float32),
            pltpu.SemaphoreType.DMA,
        ],
        **_SC_PARAMS,
    )
    def deg_kernel(ei_hbm, out_hbm, idx_v, deg_v, isem):
        c = lax.axis_index("c")
        s = lax.axis_index("s")
        wid = c * NS + s
        idx_dma = pltpu.async_copy(ei_hbm.at[1, pl.ds(wid * ept, ept)],
                                   idx_v, isem)

        zeros = jnp.zeros((16,), jnp.float32)

        def zero_body(i, carry):
            deg_v[pl.ds(i * 16, 16)] = zeros
            return carry

        lax.fori_loop(0, N_NODES // 16, zero_body, 0)
        idx_dma.wait()

        ones = jnp.ones((16,), jnp.float32)

        def add_body(i, carry):
            idx = idx_v[pl.ds(i * 16, 16)]
            plsc.addupdate_scatter(deg_v, [idx], ones)
            return carry

        lax.fori_loop(0, ept // 16, add_body, 0)
        pltpu.sync_copy(deg_v, out_hbm.at[c, s])

    return deg_kernel(edge_index)


_NSLOT = 5


def _edge_loop(g_hbm, acc, sidx, didx, rows, gsems, ssems, nblk):
    for b in range(_NSLOT):
        pltpu.async_copy(g_hbm.at[sidx.at[b]], rows.at[b], gsems[b])

    def body(i, carry):
        j = i * _NSLOT
        for b in range(_NSLOT):
            pltpu.make_async_copy(g_hbm.at[sidx.at[j + b]], rows.at[b],
                                  gsems[b]).wait()
            pltpu.async_copy(rows.at[b], acc.at[didx.at[j + b]], ssems[b],
                             add=True)
        for b in range(_NSLOT):
            pltpu.make_async_copy(rows.at[b], acc.at[didx.at[j + b]],
                                  ssems[b]).wait()

            @pl.when(j + b + _NSLOT < nblk)
            def _():
                pltpu.async_copy(g_hbm.at[sidx.at[j + b + _NSLOT]],
                                 rows.at[b], gsems[b])

        return carry

    lax.fori_loop(0, nblk // _NSLOT, body, 0)


def _scatter_scratch(nblk, d):
    return [
        pltpu.VMEM((nblk, BLK), jnp.int32),
        pltpu.VMEM((nblk, BLK), jnp.int32),
        pltpu.VMEM((_NSLOT, BLK, d), jnp.float32),
        pltpu.VMEM_SHARED((N_PAD, d), jnp.float32),
    ] + [pltpu.SemaphoreType.DMA] * (2 * _NSLOT)


def _sc_scatter_fsplit(g_flat, src_off, dst_r, zrows):
    d = g_flat.shape[1]
    nblk = dst_r.shape[1]

    @functools.partial(
        pl.kernel,
        out_type=jax.ShapeDtypeStruct((N_PAD, NC * d), jnp.float32),
        scratch_types=_scatter_scratch(nblk, d),
        **_SC_PARAMS,
    )
    def scatter_kernel(g_hbm, src_hbm, dst_hbm, z_hbm, out_hbm,
                       sidx, didx, rows, acc, *sems):
        c = lax.axis_index("c")
        s = lax.axis_index("s")
        d0 = pltpu.async_copy(src_hbm.at[c, s], sidx, sems[0])
        d1 = pltpu.async_copy(dst_hbm.at[s], didx, sems[1])
        d2 = pltpu.async_copy(z_hbm, acc.at[pl.ds(s * RPT, RPT)], sems[2])
        d0.wait(); d1.wait(); d2.wait()
        plsc.subcore_barrier()
        _edge_loop(g_hbm, acc, sidx, didx, rows,
                   sems[:_NSLOT], sems[_NSLOT:], nblk)
        plsc.subcore_barrier()
        pltpu.sync_copy(acc.at[pl.ds(s * RPT, RPT)],
                        out_hbm.at[pl.ds(s * RPT, RPT), pl.ds(c * d, d)])

    return scatter_kernel(g_flat, src_off, dst_r, zrows)


def _sc_scatter_esplit(g, src_r, dst_r, zrows):
    d = g.shape[1]
    nblk = src_r.shape[2]

    @functools.partial(
        pl.kernel,
        out_type=jax.ShapeDtypeStruct((NC, N_PAD, d), jnp.float32),
        scratch_types=_scatter_scratch(nblk, d),
        **_SC_PARAMS,
    )
    def scatter_kernel(g_hbm, src_hbm, dst_hbm, z_hbm, out_hbm,
                       sidx, didx, rows, acc, *sems):
        c = lax.axis_index("c")
        s = lax.axis_index("s")
        n = g_hbm.shape[0]
        tail = n - (NS - 1) * RPT
        d0 = pltpu.async_copy(src_hbm.at[c, s], sidx, sems[0])
        d1 = pltpu.async_copy(dst_hbm.at[c, s], didx, sems[1])

        @pl.when(jnp.logical_and(c == 0, s < NS - 1))
        def _():
            pltpu.async_copy(g_hbm.at[pl.ds(s * RPT, RPT)],
                             acc.at[pl.ds(s * RPT, RPT)], sems[2]).wait()

        @pl.when(jnp.logical_and(c == 0, s == NS - 1))
        def _():
            pltpu.async_copy(g_hbm.at[pl.ds((NS - 1) * RPT, tail)],
                             acc.at[pl.ds((NS - 1) * RPT, tail)],
                             sems[2]).wait()

        @pl.when(c == 1)
        def _():
            pltpu.async_copy(z_hbm, acc.at[pl.ds(s * RPT, RPT)],
                             sems[2]).wait()

        d0.wait(); d1.wait()
        plsc.subcore_barrier()
        _edge_loop(g_hbm, acc, sidx, didx, rows,
                   sems[:_NSLOT], sems[_NSLOT:], nblk)
        plsc.subcore_barrier()
        pltpu.sync_copy(acc.at[pl.ds(s * RPT, RPT)],
                        out_hbm.at[c, pl.ds(s * RPT, RPT)])

    return scatter_kernel(g, src_r, dst_r, zrows)


def _tc_dinv(deg_parts):

    def dinv_kernel(deg_ref, out_ref):
        deg = jnp.sum(deg_ref[...], axis=0) + 1.0
        out_ref[...] = lax.rsqrt(deg)[:, None]

    return pl.pallas_call(
        dinv_kernel,
        out_shape=jax.ShapeDtypeStruct((N_NODES, 1), jnp.float32),
    )(deg_parts)


_BS = 2000


def _tc_layer1(x, w1, dinv):
    f_in, f_out = w1.shape

    def l1_kernel(x_ref, w_ref, dv_ref, g_ref):
        h = jnp.dot(x_ref[...], w_ref[...], preferred_element_type=jnp.float32)
        g_ref[...] = h * dv_ref[...]

    return pl.pallas_call(
        l1_kernel,
        grid=(N_NODES // _BS,),
        in_specs=[
            pl.BlockSpec((_BS, f_in), lambda i: (i, 0)),
            pl.BlockSpec((f_in, f_out), lambda i: (0, 0)),
            pl.BlockSpec((_BS, 1), lambda i: (i, 0)),
        ],
        out_specs=pl.BlockSpec((_BS, f_out), lambda i: (i, 0)),
        out_shape=jax.ShapeDtypeStruct((N_NODES, f_out), jnp.float32),
    )(x, w1, dinv)


def _tc_layer2(agg1, b1, w2, dinv):
    f_in, f_out = w2.shape

    def l2_kernel(a_ref, b1_ref, w2_ref, dv_ref, g2_ref):
        dv = dv_ref[...]
        r = jnp.maximum(a_ref[...] * dv + b1_ref[...], 0.0)
        h2 = jnp.dot(r, w2_ref[...], preferred_element_type=jnp.float32)
        g2_ref[...] = h2 * dv

    return pl.pallas_call(
        l2_kernel,
        grid=(N_NODES // _BS,),
        in_specs=[
            pl.BlockSpec((_BS, f_in), lambda i: (i, 0)),
            pl.BlockSpec((1, f_in), lambda i: (0, 0)),
            pl.BlockSpec((f_in, f_out), lambda i: (0, 0)),
            pl.BlockSpec((_BS, 1), lambda i: (i, 0)),
        ],
        out_specs=pl.BlockSpec((_BS, f_out), lambda i: (i, 0)),
        out_shape=jax.ShapeDtypeStruct((N_NODES, f_out), jnp.float32),
    )(agg1, b1, w2, dinv)


def _tc_out(agg2, b2, dinv):
    f_out = agg2.shape[2]

    def out_kernel(a_ref, b2_ref, dv_ref, o_ref):
        dv = dv_ref[...]
        o = (a_ref[0] + a_ref[1]) * dv + b2_ref[...]
        m = jnp.max(o, axis=1, keepdims=True)
        lse = jnp.log(jnp.sum(jnp.exp(o - m), axis=1, keepdims=True)) + m
        o_ref[...] = o - lse

    return pl.pallas_call(
        out_kernel,
        grid=(N_NODES // _BS,),
        in_specs=[
            pl.BlockSpec((NC, _BS, f_out), lambda i: (0, i, 0)),
            pl.BlockSpec((1, f_out), lambda i: (0, 0)),
            pl.BlockSpec((_BS, 1), lambda i: (i, 0)),
        ],
        out_specs=pl.BlockSpec((_BS, f_out), lambda i: (i, 0)),
        out_shape=jax.ShapeDtypeStruct((N_NODES, f_out), jnp.float32),
    )(agg2, b2, dinv)


def kernel(x, edge_index, W1, b1, W2, b2):
    n_edges = edge_index.shape[1]
    ei32 = edge_index.astype(jnp.int32)
    src = ei32[0]
    dst = ei32[1]

    ept2 = n_edges // NW
    nblk2 = ept2 // BLK
    assert nblk2 * BLK * NW == n_edges and nblk2 % 2 == 0
    src_e = src.reshape(NC, NS, nblk2, BLK)
    dst_e = dst.reshape(NC, NS, nblk2, BLK)

    ept1 = n_edges // NS
    nblk1 = ept1 // BLK
    loops = jnp.arange(N_NODES, dtype=jnp.int32).reshape(NS, -1, BLK)
    src_ext = jnp.concatenate([src.reshape(NS, nblk1, BLK), loops], axis=1)
    dst_ext = jnp.concatenate([dst.reshape(NS, nblk1, BLK), loops], axis=1)
    nblk1 = src_ext.shape[1]
    assert nblk1 % _NSLOT == 0 and (n_edges // NW) // BLK % _NSLOT == 0
    src_off = jnp.stack([2 * src_ext, 2 * src_ext + 1])
    dst_f = dst_ext

    deg_parts = _sc_degree(ei32)
    dinv = _tc_dinv(deg_parts.reshape(NW, N_NODES))

    g1 = _tc_layer1(x, W1, dinv)
    half = W1.shape[1] // NC
    g1_flat = g1.reshape(NC * N_NODES, half)
    agg1 = _sc_scatter_fsplit(g1_flat, src_off, dst_f,
                              jnp.zeros((RPT, half), jnp.float32))
    g2 = _tc_layer2(agg1, b1.reshape(1, -1), W2, dinv)
    agg2 = _sc_scatter_esplit(g2, src_e, dst_e,
                              jnp.zeros((RPT, W2.shape[1]), jnp.float32))
    return _tc_out(agg2, b2.reshape(1, -1), dinv)

# --- scband reference (transcript-rebuilt; emitter-appended) ---
"""Pipeline reference for scband-gcn-62259845923389 (READ-ONLY COPY).

The authoritative reference and input builder live on the scoring server;
editing this copy changes nothing except your own understanding.
"""

import jax, jax.numpy as jnp
import numpy as np

N_NODES = 10000
N_EDGES = 320000
N_FEAT = 128
HIDDEN = 128
N_CLASSES = 40


def gcn_conv(x, edge_index, W, b, num_nodes):
    # PyG GCNConv: add self-loops, symmetric normalization, linear, scatter-add, bias
    src = edge_index[0]
    dst = edge_index[1]
    loop = jnp.arange(num_nodes, dtype=edge_index.dtype)
    src = jnp.concatenate([src, loop])
    dst = jnp.concatenate([dst, loop])
    deg = jnp.zeros((num_nodes,), dtype=x.dtype).at[dst].add(1.0)
    deg_inv_sqrt = jnp.where(deg > 0, deg ** -0.5, 0.0)
    norm = deg_inv_sqrt[src] * deg_inv_sqrt[dst]
    h = x @ W
    msg = h[src] * norm[:, None]
    out = jnp.zeros((num_nodes, W.shape[1]), dtype=x.dtype).at[dst].add(msg)
    return out + b


def setup_inputs(seed: int = 0) -> dict:
    key = jax.random.key(seed)
    k1, k2, k3, k4, k5, k6 = jax.random.split(key, 6)
    x = jax.random.normal(k1, (N_NODES, N_FEAT), dtype=jnp.float32)
    edge_index = jax.random.randint(k2, (2, N_EDGES), 0, N_NODES, dtype=jnp.int64)
    W1 = jax.random.normal(k3, (N_FEAT, HIDDEN), dtype=jnp.float32) * (1.0 / np.sqrt(N_FEAT))
    b1 = jnp.zeros((HIDDEN,), dtype=jnp.float32)
    W2 = jax.random.normal(k4, (HIDDEN, N_CLASSES), dtype=jnp.float32) * (1.0 / np.sqrt(HIDDEN))
    b2 = jnp.zeros((N_CLASSES,), dtype=jnp.float32)
    return {"x": x, "edge_index": edge_index, "W1": W1, "b1": b1, "W2": W2, "b2": b2}


def reference(x, edge_index, W1, b1, W2, b2):
    h = gcn_conv(x, edge_index, W1, b1, N_NODES)
    h = jax.nn.relu(h)
    h = gcn_conv(h, edge_index, W2, b2, N_NODES)
    return jax.nn.log_softmax(h, axis=1)

if __name__ == "__main__":
    import jax
    _d = setup_inputs()
    print(jax.jit(kernel)(*tuple(_d.values())))

</pallas_src>

<mosaic_0001>
#map = affine_map<(d0, d1) -> (0, 0)>
#map1 = affine_map<(d0, d1) -> (0, 0, 0, 0)>
#map2 = affine_map<(d0, d1) -> (0, 0, 0)>
module attributes {stable_mosaic.version = 14 : i64} {
  func.func @scatter_kernel(%arg0: i32, %arg1: i32, %arg2: memref<20000x64xf32, #tpu.memory_space<hbm>>, %arg3: memref<2x16x165x125xi32, #tpu.memory_space<hbm>>, %arg4: memref<16x165x125xi32, #tpu.memory_space<hbm>>, %arg5: memref<640x64xf32, #tpu.memory_space<hbm>>, %arg6: memref<10240x128xf32, #tpu.memory_space<hbm>>, %arg7: memref<165x125xi32, #tpu.memory_space<vmem>>, %arg8: memref<165x125xi32, #tpu.memory_space<vmem>>, %arg9: memref<5x125x64xf32, #tpu.memory_space<vmem>>, %arg10: memref<10240x64xf32, #tpu.memory_space<vmem_shared>>, %arg11: memref<!tpu.dma_semaphore, #tpu.memory_space<semaphore_mem>>, %arg12: memref<!tpu.dma_semaphore, #tpu.memory_space<semaphore_mem>>, %arg13: memref<!tpu.dma_semaphore, #tpu.memory_space<semaphore_mem>>, %arg14: memref<!tpu.dma_semaphore, #tpu.memory_space<semaphore_mem>>, %arg15: memref<!tpu.dma_semaphore, #tpu.memory_space<semaphore_mem>>, %arg16: memref<!tpu.dma_semaphore, #tpu.memory_space<semaphore_mem>>, %arg17: memref<!tpu.dma_semaphore, #tpu.memory_space<semaphore_mem>>, %arg18: memref<!tpu.dma_semaphore, #tpu.memory_space<semaphore_mem>>, %arg19: memref<!tpu.dma_semaphore, #tpu.memory_space<semaphore_mem>>, %arg20: memref<!tpu.dma_semaphore, #tpu.memory_space<semaphore_mem>>) attributes {dimension_semantics = [#tpu.dimension_semantics<core_parallel>, #tpu.dimension_semantics<subcore_parallel>], iteration_bounds = array<i64: 2, 16>, scalar_prefetch = 0 : i64, scratch_operands = 14 : i64, tpu.core_type = #tpu.core_type<sc_vector_subcore>, window_params = [{transform_indices = #map}, {transform_indices = #map1}, {transform_indices = #map2}, {transform_indices = #map}, {transform_indices = #map}]} {
    %dma_start3A = arith.constant 0 : i32
    %dma_start3A_0 = arith.constant 0 : i32
    %dma_start3A_1 = tpu.memref_slice %arg3[%arg0, %arg1, %dma_start3A, %dma_start3A_0] : memref<2x16x165x125xi32, #tpu.memory_space<hbm>> -> memref<1x1x165x125xi32, #tpu.memory_space<hbm>>
    %dma_start3A_2 = tpu.memref_squeeze %dma_start3A_1 : memref<1x1x165x125xi32, #tpu.memory_space<hbm>> -> memref<165x125xi32, #tpu.memory_space<hbm>>
    %dma_start3A_3 = arith.constant 0 : i32
    %dma_start3A_4 = arith.constant 0 : i32
    %dma_start3A_5 = tpu.memref_slice %arg3[%arg0, %arg1, %dma_start3A_3, %dma_start3A_4] : memref<2x16x165x125xi32, #tpu.memory_space<hbm>> -> memref<1x1x165x125xi32, #tpu.memory_space<hbm>>
    %dma_start3A_6 = tpu.memref_squeeze %dma_start3A_5 : memref<1x1x165x125xi32, #tpu.memory_space<hbm>> -> memref<165x125xi32, #tpu.memory_space<hbm>>
    tpu.enqueue_dma source(%dma_start3A_6 : memref<165x125xi32, #tpu.memory_space<hbm>>) target(%arg7 : memref<165x125xi32, #tpu.memory_space<vmem>>) target_semaphore(%arg11 : memref<!tpu.dma_semaphore, #tpu.memory_space<semaphore_mem>>)
    %dma_start3A_7 = arith.constant 0 : i32
    %dma_start3A_8 = arith.constant 0 : i32
    %dma_start3A_9 = tpu.memref_slice %arg4[%arg1, %dma_start3A_7, %dma_start3A_8] : memref<16x165x125xi32, #tpu.memory_space<hbm>> -> memref<1x165x125xi32, #tpu.memory_space<hbm>>
    %dma_start3A_10 = tpu.memref_squeeze %dma_start3A_9 : memref<1x165x125xi32, #tpu.memory_space<hbm>> -> memref<165x125xi32, #tpu.memory_space<hbm>>
    %dma_start3A_11 = arith.constant 0 : i32
    %dma_start3A_12 = arith.constant 0 : i32
    %dma_start3A_13 = tpu.memref_slice %arg4[%arg1, %dma_start3A_11, %dma_start3A_12] : memref<16x165x125xi32, #tpu.memory_space<hbm>> -> memref<1x165x125xi32, #tpu.memory_space<hbm>>
    %dma_start3A_14 = tpu.memref_squeeze %dma_start3A_13 : memref<1x165x125xi32, #tpu.memory_space<hbm>> -> memref<165x125xi32, #tpu.memory_space<hbm>>
    tpu.enqueue_dma source(%dma_start3A_14 : memref<165x125xi32, #tpu.memory_space<hbm>>) target(%arg8 : memref<165x125xi32, #tpu.memory_space<vmem>>) target_semaphore(%arg12 : memref<!tpu.dma_semaphore, #tpu.memory_space<semaphore_mem>>)
    %mul3A = arith.constant 640 : i32
    %mul3A_15 = arith.muli %arg1, %mul3A : i32
    %dma_start3A_16 = arith.constant 0 : i32
    %dma_start3A_17 = tpu.memref_slice %arg10[%mul3A_15, %dma_start3A_16] : memref<10240x64xf32, #tpu.memory_space<vmem_shared>> -> memref<640x64xf32, #tpu.memory_space<vmem_shared>>
    tpu.enqueue_dma source(%arg5 : memref<640x64xf32, #tpu.memory_space<hbm>>) target(%dma_start3A_17 : memref<640x64xf32, #tpu.memory_space<vmem_shared>>) target_semaphore(%arg13 : memref<!tpu.dma_semaphore, #tpu.memory_space<semaphore_mem>>)
    %dma_wait3A = arith.constant 0 : i32
    %dma_wait3A_18 = arith.constant 0 : i32
    %dma_wait3A_19 = tpu.memref_slice %arg3[%arg0, %arg1, %dma_wait3A, %dma_wait3A_18] : memref<2x16x165x125xi32, #tpu.memory_space<hbm>> -> memref<1x1x165x125xi32, #tpu.memory_space<hbm>>
    %dma_wait3A_20 = tpu.memref_squeeze %dma_wait3A_19 : memref<1x1x165x125xi32, #tpu.memory_space<hbm>> -> memref<165x125xi32, #tpu.memory_space<hbm>>
    %dma_wait3A_21 = arith.constant 0 : i32
    %dma_wait3A_22 = arith.constant 0 : i32
    %dma_wait3A_23 = tpu.memref_slice %arg3[%arg0, %arg1, %dma_wait3A_21, %dma_wait3A_22] : memref<2x16x165x125xi32, #tpu.memory_space<hbm>> -> memref<1x1x165x125xi32, #tpu.memory_space<hbm>>
    %dma_wait3A_24 = tpu.memref_squeeze %dma_wait3A_23 : memref<1x1x165x125xi32, #tpu.memory_space<hbm>> -> memref<165x125xi32, #tpu.memory_space<hbm>>
    tpu.wait_dma2 semaphore(%arg11 : memref<!tpu.dma_semaphore, #tpu.memory_space<semaphore_mem>>) src(%dma_wait3A_24 : memref<165x125xi32, #tpu.memory_space<hbm>>) dst(%arg7 : memref<165x125xi32, #tpu.memory_space<vmem>>)
    %dma_wait3A_25 = arith.constant 0 : i32
    %dma_wait3A_26 = arith.constant 0 : i32
    %dma_wait3A_27 = tpu.memref_slice %arg4[%arg1, %dma_wait3A_25, %dma_wait3A_26] : memref<16x165x125xi32, #tpu.memory_space<hbm>> -> memref<1x165x125xi32, #tpu.memory_space<hbm>>
    %dma_wait3A_28 = tpu.memref_squeeze %dma_wait3A_27 : memref<1x165x125xi32, #tpu.memory_space<hbm>> -> memref<165x125xi32, #tpu.memory_space<hbm>>
    %dma_wait3A_29 = arith.constant 0 : i32
    %dma_wait3A_30 = arith.constant 0 : i32
    %dma_wait3A_31 = tpu.memref_slice %arg4[%arg1, %dma_wait3A_29, %dma_wait3A_30] : memref<16x165x125xi32, #tpu.memory_space<hbm>> -> memref<1x165x125xi32, #tpu.memory_space<hbm>>
    %dma_wait3A_32 = tpu.memref_squeeze %dma_wait3A_31 : memref<1x165x125xi32, #tpu.memory_space<hbm>> -> memref<165x125xi32, #tpu.memory_space<hbm>>
    tpu.wait_dma2 semaphore(%arg12 : memref<!tpu.dma_semaphore, #tpu.memory_space<semaphore_mem>>) src(%dma_wait3A_32 : memref<165x125xi32, #tpu.memory_space<hbm>>) dst(%arg8 : memref<165x125xi32, #tpu.memory_space<vmem>>)
    %dma_wait3A_33 = arith.constant 0 : i32
    %dma_wait3A_34 = tpu.memref_slice %arg10[%mul3A_15, %dma_wait3A_33] : memref<10240x64xf32, #tpu.memory_space<vmem_shared>> -> memref<640x64xf32, #tpu.memory_space<vmem_shared>>
    tpu.wait_dma2 semaphore(%arg13 : memref<!tpu.dma_semaphore, #tpu.memory_space<semaphore_mem>>) src(%arg5 : memref<640x64xf32, #tpu.memory_space<hbm>>) dst(%dma_wait3A_34 : memref<640x64xf32, #tpu.memory_space<vmem_shared>>)
    %barrier3A = arith.constant 0 : index
    tpu.barrier barrier_id(%barrier3A)
    %dma_start3A_35 = arith.constant 0 : i32
    %dma_start3A_36 = arith.constant 0 : i32
    %dma_start3A_37 = arith.constant 0 : i32
    %dma_start3A_38 = arith.constant 0 : i32
    %dma_start3A_39 = tpu.memref_slice %arg9[%dma_start3A_36, %dma_start3A_37, %dma_start3A_38] : memref<5x125x64xf32, #tpu.memory_space<vmem>> -> memref<1x125x64xf32, #tpu.memory_space<vmem>>
    %dma_start3A_40 = tpu.memref_squeeze %dma_start3A_39 : memref<1x125x64xf32, #tpu.memory_space<vmem>> -> memref<125x64xf32, #tpu.memory_space<vmem>>
    %dma_start3A_41 = arith.constant 0 : i32
    %dma_start3A_42 = tpu.memref_slice %arg7[%dma_start3A_35, %dma_start3A_41] : memref<165x125xi32, #tpu.memory_space<vmem>> -> memref<1x125xi32, #tpu.memory_space<vmem>>
    %dma_start3A_43 = tpu.memref_squeeze %dma_start3A_42 : memref<1x125xi32, #tpu.memory_space<vmem>> -> memref<125xi32, #tpu.memory_space<vmem>>
    %dma_start3A_44 = arith.constant 0 : i32
    %dma_start3A_45 = arith.constant 0 : i32
    %dma_start3A_46 = tpu.memref_slice %arg2[%dma_start3A_44, %dma_start3A_45] : memref<20000x64xf32, #tpu.memory_space<hbm>> -> memref<20000x64xf32, #tpu.memory_space<hbm>>
    tpu.enqueue_indirect_dma source(%dma_start3A_46 : memref<20000x64xf32, #tpu.memory_space<hbm>>) target(%dma_start3A_40 : memref<125x64xf32, #tpu.memory_space<vmem>>) offsets(%dma_start3A_43 : memref<125xi32, #tpu.memory_space<vmem>>) semaphore(%arg11 : memref<!tpu.dma_semaphore, #tpu.memory_space<semaphore_mem>>)
    %dma_start3A_47 = arith.constant 1 : i32
    %dma_start3A_48 = arith.constant 1 : i32
    %dma_start3A_49 = arith.constant 0 : i32
    %dma_start3A_50 = arith.constant 0 : i32
    %dma_start3A_51 = tpu.memref_slice %arg9[%dma_start3A_48, %dma_start3A_49, %dma_start3A_50] : memref<5x125x64xf32, #tpu.memory_space<vmem>> -> memref<1x125x64xf32, #tpu.memory_space<vmem>>
    %dma_start3A_52 = tpu.memref_squeeze %dma_start3A_51 : memref<1x125x64xf32, #tpu.memory_space<vmem>> -> memref<125x64xf32, #tpu.memory_space<vmem>>
    %dma_start3A_53 = arith.constant 0 : i32
    %dma_start3A_54 = tpu.memref_slice %arg7[%dma_start3A_47, %dma_start3A_53] : memref<165x125xi32, #tpu.memory_space<vmem>> -> memref<1x125xi32, #tpu.memory_space<vmem>>
    %dma_start3A_55 = tpu.memref_squeeze %dma_start3A_54 : memref<1x125xi32, #tpu.memory_space<vmem>> -> memref<125xi32, #tpu.memory_space<vmem>>
    %dma_start3A_56 = arith.constant 0 : i32
    %dma_start3A_57 = arith.constant 0 : i32
    %dma_start3A_58 = tpu.memref_slice %arg2[%dma_start3A_56, %dma_start3A_57] : memref<20000x64xf32, #tpu.memory_space<hbm>> -> memref<20000x64xf32, #tpu.memory_space<hbm>>
    tpu.enqueue_indirect_dma source(%dma_start3A_58 : memref<20000x64xf32, #tpu.memory_space<hbm>>) target(%dma_start3A_52 : memref<125x64xf32, #tpu.memory_space<vmem>>) offsets(%dma_start3A_55 : memref<125xi32, #tpu.memory_space<vmem>>) semaphore(%arg12 : memref<!tpu.dma_semaphore, #tpu.memory_space<semaphore_mem>>)
    %dma_start3A_59 = arith.constant 2 : i32
    %dma_start3A_60 = arith.constant 2 : i32
    %dma_start3A_61 = arith.constant 0 : i32
    %dma_start3A_62 = arith.constant 0 : i32
    %dma_start3A_63 = tpu.memref_slice %arg9[%dma_start3A_60, %dma_start3A_61, %dma_start3A_62] : memref<5x125x64xf32, #tpu.memory_space<vmem>> -> memref<1x125x64xf32, #tpu.memory_space<vmem>>
    %dma_start3A_64 = tpu.memref_squeeze %dma_start3A_63 : memref<1x125x64xf32, #tpu.memory_space<vmem>> -> memref<125x64xf32, #tpu.memory_space<vmem>>
    %dma_start3A_65 = arith.constant 0 : i32
    %dma_start3A_66 = tpu.memref_slice %arg7[%dma_start3A_59, %dma_start3A_65] : memref<165x125xi32, #tpu.memory_space<vmem>> -> memref<1x125xi32, #tpu.memory_space<vmem>>
    %dma_start3A_67 = tpu.memref_squeeze %dma_start3A_66 : memref<1x125xi32, #tpu.memory_space<vmem>> -> memref<125xi32, #tpu.memory_space<vmem>>
    %dma_start3A_68 = arith.constant 0 : i32
    %dma_start3A_69 = arith.constant 0 : i32
    %dma_start3A_70 = tpu.memref_slice %arg2[%dma_start3A_68, %dma_start3A_69] : memref<20000x64xf32, #tpu.memory_space<hbm>> -> memref<20000x64xf32, #tpu.memory_space<hbm>>
    tpu.enqueue_indirect_dma source(%dma_start3A_70 : memref<20000x64xf32, #tpu.memory_space<hbm>>) target(%dma_start3A_64 : memref<125x64xf32, #tpu.memory_space<vmem>>) offsets(%dma_start3A_67 : memref<125xi32, #tpu.memory_space<vmem>>) semaphore(%arg13 : memref<!tpu.dma_semaphore, #tpu.memory_space<semaphore_mem>>)
    %dma_start3A_71 = arith.constant 3 : i32
    %dma_start3A_72 = arith.constant 3 : i32
    %dma_start3A_73 = arith.constant 0 : i32
    %dma_start3A_74 = arith.constant 0 : i32
    %dma_start3A_75 = tpu.memref_slice %arg9[%dma_start3A_72, %dma_start3A_73, %dma_start3A_74] : memref<5x125x64xf32, #tpu.memory_space<vmem>> -> memref<1x125x64xf32, #tpu.memory_space<vmem>>
    %dma_start3A_76 = tpu.memref_squeeze %dma_start3A_75 : memref<1x125x64xf32, #tpu.memory_space<vmem>> -> memref<125x64xf32, #tpu.memory_space<vmem>>
    %dma_start3A_77 = arith.constant 0 : i32
    %dma_start3A_78 = tpu.memref_slice %arg7[%dma_start3A_71, %dma_start3A_77] : memref<165x125xi32, #tpu.memory_space<vmem>> -> memref<1x125xi32, #tpu.memory_space<vmem>>
    %dma_start3A_79 = tpu.memref_squeeze %dma_start3A_78 : memref<1x125xi32, #tpu.memory_space<vmem>> -> memref<125xi32, #tpu.memory_space<vmem>>
    %dma_start3A_80 = arith.constant 0 : i32
    %dma_start3A_81 = arith.constant 0 : i32
    %dma_start3A_82 = tpu.memref_slice %arg2[%dma_start3A_80, %dma_start3A_81] : memref<20000x64xf32, #tpu.memory_space<hbm>> -> memref<20000x64xf32, #tpu.memory_space<hbm>>
    tpu.enqueue_indirect_dma source(%dma_start3A_82 : memref<20000x64xf32, #tpu.memory_space<hbm>>) target(%dma_start3A_76 : memref<125x64xf32, #tpu.memory_space<vmem>>) offsets(%dma_start3A_79 : memref<125xi32, #tpu.memory_space<vmem>>) semaphore(%arg14 : memref<!tpu.dma_semaphore, #tpu.memory_space<semaphore_mem>>)
    %dma_start3A_83 = arith.constant 4 : i32
    %dma_start3A_84 = arith.constant 4 : i32
    %dma_start3A_85 = arith.constant 0 : i32
    %dma_start3A_86 = arith.constant 0 : i32
    %dma_start3A_87 = tpu.memref_slice %arg9[%dma_start3A_84, %dma_start3A_85, %dma_start3A_86] : memref<5x125x64xf32, #tpu.memory_space<vmem>> -> memref<1x125x64xf32, #tpu.memory_space<vmem>>
    %dma_start3A_88 = tpu.memref_squeeze %dma_start3A_87 : memref<1x125x64xf32, #tpu.memory_space<vmem>> -> memref<125x64xf32, #tpu.memory_space<vmem>>
    %dma_start3A_89 = arith.constant 0 : i32
    %dma_start3A_90 = tpu.memref_slice %arg7[%dma_start3A_83, %dma_start3A_89] : memref<165x125xi32, #tpu.memory_space<vmem>> -> memref<1x125xi32, #tpu.memory_space<vmem>>
    %dma_start3A_91 = tpu.memref_squeeze %dma_start3A_90 : memref<1x125xi32, #tpu.memory_space<vmem>> -> memref<125xi32, #tpu.memory_space<vmem>>
    %dma_start3A_92 = arith.constant 0 : i32
    %dma_start3A_93 = arith.constant 0 : i32
    %dma_start3A_94 = tpu.memref_slice %arg2[%dma_start3A_92, %dma_start3A_93] : memref<20000x64xf32, #tpu.memory_space<hbm>> -> memref<20000x64xf32, #tpu.memory_space<hbm>>
    tpu.enqueue_indirect_dma source(%dma_start3A_94 : memref<20000x64xf32, #tpu.memory_space<hbm>>) target(%dma_start3A_88 : memref<125x64xf32, #tpu.memory_space<vmem>>) offsets(%dma_start3A_91 : memref<125xi32, #tpu.memory_space<vmem>>) semaphore(%arg15 : memref<!tpu.dma_semaphore, #tpu.memory_space<semaphore_mem>>)
    %scan3A = arith.constant 0 : i32
    %scan3A_95 = arith.constant 0 : i32
    %scan3A_96 = arith.constant 33 : i32
    %scan3A_97 = arith.addi %scan3A_95, %scan3A_96 : i32
    %scan3A_98 = arith.constant 1 : i32
    scf.for %scan3A_107 = %scan3A_95 to %scan3A_97 step %scan3A_98  : i32 {
      %mul3A_108 = arith.constant 5 : i32
      %mul3A_109 = arith.muli %scan3A_107, %mul3A_108 : i32
      %add3A = arith.constant 0 : i32
      %add3A_110 = arith.addi %mul3A_109, %add3A : i32
      %dma_wait3A_111 = arith.constant 0 : i32
      %dma_wait3A_112 = arith.constant 0 : i32
      %dma_wait3A_113 = arith.constant 0 : i32
      %dma_wait3A_114 = tpu.memref_slice %arg9[%dma_wait3A_111, %dma_wait3A_112, %dma_wait3A_113] : memref<5x125x64xf32, #tpu.memory_space<vmem>> -> memref<1x125x64xf32, #tpu.memory_space<vmem>>
      %dma_wait3A_115 = tpu.memref_squeeze %dma_wait3A_114 : memref<1x125x64xf32, #tpu.memory_space<vmem>> -> memref<125x64xf32, #tpu.memory_space<vmem>>
      %dma_wait3A_116 = arith.constant 0 : i32
      %dma_wait3A_117 = tpu.memref_slice %arg7[%add3A_110, %dma_wait3A_116] : memref<165x125xi32, #tpu.memory_space<vmem>> -> memref<1x125xi32, #tpu.memory_space<vmem>>
      %dma_wait3A_118 = tpu.memref_squeeze %dma_wait3A_117 : memref<1x125xi32, #tpu.memory_space<vmem>> -> memref<125xi32, #tpu.memory_space<vmem>>
      %dma_wait3A_119 = arith.constant 0 : i32
      %dma_wait3A_120 = arith.constant 0 : i32
      %dma_wait3A_121 = tpu.memref_slice %arg2[%dma_wait3A_119, %dma_wait3A_120] : memref<20000x64xf32, #tpu.memory_space<hbm>> -> memref<20000x64xf32, #tpu.memory_space<hbm>>
      tpu.wait_indirect_dma semaphore(%arg11 : memref<!tpu.dma_semaphore, #tpu.memory_space<semaphore_mem>>) src(%dma_wait3A_121 : memref<20000x64xf32, #tpu.memory_space<hbm>>) dst(%dma_wait3A_115 : memref<125x64xf32, #tpu.memory_space<vmem>>)
      %add3A_122 = arith.constant 0 : i32
      %add3A_123 = arith.addi %mul3A_109, %add3A_122 : i32
      %dma_start3A_124 = arith.constant 0 : i32
      %dma_start3A_125 = arith.constant 0 : i32
      %dma_start3A_126 = arith.constant 0 : i32
      %dma_start3A_127 = tpu.memref_slice %arg9[%dma_start3A_124, %dma_start3A_125, %dma_start3A_126] : memref<5x125x64xf32, #tpu.memory_space<vmem>> -> memref<1x125x64xf32, #tpu.memory_space<vmem>>
      %dma_start3A_128 = tpu.memref_squeeze %dma_start3A_127 : memref<1x125x64xf32, #tpu.memory_space<vmem>> -> memref<125x64xf32, #tpu.memory_space<vmem>>
      %dma_start3A_129 = arith.constant 0 : i32
      %dma_start3A_130 = tpu.memref_slice %arg8[%add3A_123, %dma_start3A_129] : memref<165x125xi32, #tpu.memory_space<vmem>> -> memref<1x125xi32, #tpu.memory_space<vmem>>
      %dma_start3A_131 = tpu.memref_squeeze %dma_start3A_130 : memref<1x125xi32, #tpu.memory_space<vmem>> -> memref<125xi32, #tpu.memory_space<vmem>>
      %dma_start3A_132 = arith.constant 0 : i32
      %dma_start3A_133 = arith.constant 0 : i32
      %dma_start3A_134 = tpu.memref_slice %arg10[%dma_start3A_132, %dma_start3A_133] : memref<10240x64xf32, #tpu.memory_space<vmem_shared>> -> memref<10240x64xf32, #tpu.memory_space<vmem_shared>>
      tpu.enqueue_indirect_dma source(%dma_start3A_128 : memref<125x64xf32, #tpu.memory_space<vmem>>) target(%dma_start3A_134 : memref<10240x64xf32, #tpu.memory_space<vmem_shared>>) offsets(%dma_start3A_131 : memref<125xi32, #tpu.memory_space<vmem>>) semaphore(%arg16 : memref<!tpu.dma_semaphore, #tpu.memory_space<semaphore_mem>>) {add = true}
      %add3A_135 = arith.constant 1 : i32
      %add3A_136 = arith.addi %mul3A_109, %add3A_135 : i32
      %dma_wait3A_137 = arith.constant 1 : i32
      %dma_wait3A_138 = arith.constant 0 : i32
      %dma_wait3A_139 = arith.constant 0 : i32
      %dma_wait3A_140 = tpu.memref_slice %arg9[%dma_wait3A_137, %dma_wait3A_138, %dma_wait3A_139] : memref<5x125x64xf32, #tpu.memory_space<vmem>> -> memref<1x125x64xf32, #tpu.memory_space<vmem>>
      %dma_wait3A_141 = tpu.memref_squeeze %dma_wait3A_140 : memref<1x125x64xf32, #tpu.memory_space<vmem>> -> memref<125x64xf32, #tpu.memory_space<vmem>>
      %dma_wait3A_142 = arith.constant 0 : i32
      %dma_wait3A_143 = tpu.memref_slice %arg7[%add3A_136, %dma_wait3A_142] : memref<165x125xi32, #tpu.memory_space<vmem>> -> memref<1x125xi32, #tpu.memory_space<vmem>>
      %dma_wait3A_144 = tpu.memref_squeeze %dma_wait3A_143 : memref<1x125xi32, #tpu.memory_space<vmem>> -> memref<125xi32, #tpu.memory_space<vmem>>
      %dma_wait3A_145 = arith.constant 0 : i32
      %dma_wait3A_146 = arith.constant 0 : i32
      %dma_wait3A_147 = tpu.memref_slice %arg2[%dma_wait3A_145, %dma_wait3A_146] : memref<20000x64xf32, #tpu.memory_space<hbm>> -> memref<20000x64xf32, #tpu.memory_space<hbm>>
      tpu.wait_indirect_dma semaphore(%arg12 : memref<!tpu.dma_semaphore, #tpu.memory_space<semaphore_mem>>) src(%dma_wait3A_147 : memref<20000x64xf32, #tpu.memory_space<hbm>>) dst(%dma_wait3A_141 : memref<125x64xf32, #tpu.memory_space<vmem>>)
      %add3A_148 = arith.constant 1 : i32
      %add3A_149 = arith.addi %mul3A_109, %add3A_148 : i32
      %dma_start3A_150 = arith.constant 1 : i32
      %dma_start3A_151 = arith.constant 0 : i32
      %dma_start3A_152 = arith.constant 0 : i32
      %dma_start3A_153 = tpu.memref_slice %arg9[%dma_start3A_150, %dma_start3A_151, %dma_start3A_152] : memref<5x125x64xf32, #tpu.memory_space<vmem>> -> memref<1x125x64xf32, #tpu.memory_space<vmem>>
      %dma_start3A_154 = tpu.memref_squeeze %dma_start3A_153 : memref<1x125x64xf32, #tpu.memory_space<vmem>> -> memref<125x64xf32, #tpu.memory_space<vmem>>
      %dma_start3A_155 = arith.constant 0 : i32
      %dma_start3A_156 = tpu.memref_slice %arg8[%add3A_149, %dma_start3A_155] : memref<165x125xi32, #tpu.memory_space<vmem>> -> memref<1x125xi32, #tpu.memory_space<vmem>>
      %dma_start3A_157 = tpu.memref_squeeze %dma_start3A_156 : memref<1x125xi32, #tpu.memory_space<vmem>> -> memref<125xi32, #tpu.memory_space<vmem>>
      %dma_start3A_158 = arith.constant 0 : i32
      %dma_start3A_159 = arith.constant 0 : i32
      %dma_start3A_160 = tpu.memref_slice %arg10[%dma_start3A_158, %dma_start3A_159] : memref<10240x64xf32, #tpu.memory_space<vmem_shared>> -> memref<10240x64xf32, #tpu.memory_space<vmem_shared>>
      tpu.enqueue_indirect_dma source(%dma_start3A_154 : memref<125x64xf32, #tpu.memory_space<vmem>>) target(%dma_start3A_160 : memref<10240x64xf32, #tpu.memory_space<vmem_shared>>) offsets(%dma_start3A_157 : memref<125xi32, #tpu.memory_space<vmem>>) semaphore(%arg17 : memref<!tpu.dma_semaphore, #tpu.memory_space<semaphore_mem>>) {add = true}
      %add3A_161 = arith.constant 2 : i32
      %add3A_162 = arith.addi %mul3A_109, %add3A_161 : i32
      %dma_wait3A_163 = arith.constant 2 : i32
      %dma_wait3A_164 = arith.constant 0 : i32
      %dma_wait3A_165 = arith.constant 0 : i32
      %dma_wait3A_166 = tpu.memref_slice %arg9[%dma_wait3A_163, %dma_wait3A_164, %dma_wait3A_165] : memref<5x125x64xf32, #tpu.memory_space<vmem>> -> memref<1x125x64xf32, #tpu.memory_space<vmem>>
      %dma_wait3A_167 = tpu.memref_squeeze %dma_wait3A_166 : memref<1x125x64xf32, #tpu.memory_space<vmem>> -> memref<125x64xf32, #tpu.memory_space<vmem>>
      %dma_wait3A_168 = arith.constant 0 : i32
      %dma_wait3A_169 = tpu.memref_slice %arg7[%add3A_162, %dma_wait3A_168] : memref<165x125xi32, #tpu.memory_space<vmem>> -> memref<1x125xi32, #tpu.memory_space<vmem>>
      %dma_wait3A_170 = tpu.memref_squeeze %dma_wait3A_169 : memref<1x125xi32, #tpu.memory_space<vmem>> -> memref<125xi32, #tpu.memory_space<vmem>>
      %dma_wait3A_171 = arith.constant 0 : i32
      %dma_wait3A_172 = arith.constant 0 : i32
      %dma_wait3A_173 = tpu.memref_slice %arg2[%dma_wait3A_171, %dma_wait3A_172] : memref<20000x64xf32, #tpu.memory_space<hbm>> -> memref<20000x64xf32, #tpu.memory_space<hbm>>
      tpu.wait_indirect_dma semaphore(%arg13 : memref<!tpu.dma_semaphore, #tpu.memory_space<semaphore_mem>>) src(%dma_wait3A_173 : memref<20000x64xf32, #tpu.memory_space<hbm>>) dst(%dma_wait3A_167 : memref<125x64xf32, #tpu.memory_space<vmem>>)
      %add3A_174 = arith.constant 2 : i32
      %add3A_175 = arith.addi %mul3A_109, %add3A_174 : i32
      %dma_start3A_176 = arith.constant 2 : i32
      %dma_start3A_177 = arith.constant 0 : i32
      %dma_start3A_178 = arith.constant 0 : i32
      %dma_start3A_179 = tpu.memref_slice %arg9[%dma_start3A_176, %dma_start3A_177, %dma_start3A_178] : memref<5x125x64xf32, #tpu.memory_space<vmem>> -> memref<1x125x64xf32, #tpu.memory_space<vmem>>
      %dma_start3A_180 = tpu.memref_squeeze %dma_start3A_179 : memref<1x125x64xf32, #tpu.memory_space<vmem>> -> memref<125x64xf32, #tpu.memory_space<vmem>>
      %dma_start3A_181 = arith.constant 0 : i32
      %dma_start3A_182 = tpu.memref_slice %arg8[%add3A_175, %dma_start3A_181] : memref<165x125xi32, #tpu.memory_space<vmem>> -> memref<1x125xi32, #tpu.memory_space<vmem>>
      %dma_start3A_183 = tpu.memref_squeeze %dma_start3A_182 : memref<1x125xi32, #tpu.memory_space<vmem>> -> memref<125xi32, #tpu.memory_space<vmem>>
      %dma_start3A_184 = arith.constant 0 : i32
      %dma_start3A_185 = arith.constant 0 : i32
      %dma_start3A_186 = tpu.memref_slice %arg10[%dma_start3A_184, %dma_start3A_185] : memref<10240x64xf32, #tpu.memory_space<vmem_shared>> -> memref<10240x64xf32, #tpu.memory_space<vmem_shared>>
      tpu.enqueue_indirect_dma source(%dma_start3A_180 : memref<125x64xf32, #tpu.memory_space<vmem>>) target(%dma_start3A_186 : memref<10240x64xf32, #tpu.memory_space<vmem_shared>>) offsets(%dma_start3A_183 : memref<125xi32, #tpu.memory_space<vmem>>) semaphore(%arg18 : memref<!tpu.dma_semaphore, #tpu.memory_space<semaphore_mem>>) {add = true}
      %add3A_187 = arith.constant 3 : i32
      %add3A_188 = arith.addi %mul3A_109, %add3A_187 : i32
      %dma_wait3A_189 = arith.constant 3 : i32
      %dma_wait3A_190 = arith.constant 0 : i32
      %dma_wait3A_191 = arith.constant 0 : i32
      %dma_wait3A_192 = tpu.memref_slice %arg9[%dma_wait3A_189, %dma_wait3A_190, %dma_wait3A_191] : memref<5x125x64xf32, #tpu.memory_space<vmem>> -> memref<1x125x64xf32, #tpu.memory_space<vmem>>
      %dma_wait3A_193 = tpu.memref_squeeze %dma_wait3A_192 : memref<1x125x64xf32, #tpu.memory_space<vmem>> -> memref<125x64xf32, #tpu.memory_space<vmem>>
      %dma_wait3A_194 = arith.constant 0 : i32
      %dma_wait3A_195 = tpu.memref_slice %arg7[%add3A_188, %dma_wait3A_194] : memref<165x125xi32, #tpu.memory_space<vmem>> -> memref<1x125xi32, #tpu.memory_space<vmem>>
      %dma_wait3A_196 = tpu.memref_squeeze %dma_wait3A_195 : memref<1x125xi32, #tpu.memory_space<vmem>> -> memref<125xi32, #tpu.memory_space<vmem>>
      %dma_wait3A_197 = arith.constant 0 : i32
      %dma_wait3A_198 = arith.constant 0 : i32
      %dma_wait3A_199 = tpu.memref_slice %arg2[%dma_wait3A_197, %dma_wait3A_198] : memref<20000x64xf32, #tpu.memory_space<hbm>> -> memref<20000x64xf32, #tpu.memory_space<hbm>>
      tpu.wait_indirect_dma semaphore(%arg14 : memref<!tpu.dma_semaphore, #tpu.memory_space<semaphore_mem>>) src(%dma_wait3A_199 : memref<20000x64xf32, #tpu.memory_space<hbm>>) dst(%dma_wait3A_193 : memref<125x64xf32, #tpu.memory_space<vmem>>)
      %add3A_200 = arith.constant 3 : i32
      %add3A_201 = arith.addi %mul3A_109, %add3A_200 : i32
      %dma_start3A_202 = arith.constant 3 : i32
      %dma_start3A_203 = arith.constant 0 : i32
      %dma_start3A_204 = arith.constant 0 : i32
      %dma_start3A_205 = tpu.memref_slice %arg9[%dma_start3A_202, %dma_start3A_203, %dma_start3A_204] : memref<5x125x64xf32, #tpu.memory_space<vmem>> -> memref<1x125x64xf32, #tpu.memory_space<vmem>>
      %dma_start3A_206 = tpu.memref_squeeze %dma_start3A_205 : memref<1x125x64xf32, #tpu.memory_space<vmem>> -> memref<125x64xf32, #tpu.memory_space<vmem>>
      %dma_start3A_207 = arith.constant 0 : i32
      %dma_start3A_208 = tpu.memref_slice %arg8[%add3A_201, %dma_start3A_207] : memref<165x125xi32, #tpu.memory_space<vmem>> -> memref<1x125xi32, #tpu.memory_space<vmem>>
      %dma_start3A_209 = tpu.memref_squeeze %dma_start3A_208 : memref<1x125xi32, #tpu.memory_space<vmem>> -> memref<125xi32, #tpu.memory_space<vmem>>
      %dma_start3A_210 = arith.constant 0 : i32
      %dma_start3A_211 = arith.constant 0 : i32
      %dma_start3A_212 = tpu.memref_slice %arg10[%dma_start3A_210, %dma_start3A_211] : memref<10240x64xf32, #tpu.memory_space<vmem_shared>> -> memref<10240x64xf32, #tpu.memory_space<vmem_shared>>
      tpu.enqueue_indirect_dma source(%dma_start3A_206 : memref<125x64xf32, #tpu.memory_space<vmem>>) target(%dma_start3A_212 : memref<10240x64xf32, #tpu.memory_space<vmem_shared>>) offsets(%dma_start3A_209 : memref<125xi32, #tpu.memory_space<vmem>>) semaphore(%arg19 : memref<!tpu.dma_semaphore, #tpu.memory_space<semaphore_mem>>) {add = true}
      %add3A_213 = arith.constant 4 : i32
      %add3A_214 = arith.addi %mul3A_109, %add3A_213 : i32
      %dma_wait3A_215 = arith.constant 4 : i32
      %dma_wait3A_216 = arith.constant 0 : i32
      %dma_wait3A_217 = arith.constant 0 : i32
      %dma_wait3A_218 = tpu.memref_slice %arg9[%dma_wait3A_215, %dma_wait3A_216, %dma_wait3A_217] : memref<5x125x64xf32, #tpu.memory_space<vmem>> -> memref<1x125x64xf32, #tpu.memory_space<vmem>>
      %dma_wait3A_219 = tpu.memref_squeeze %dma_wait3A_218 : memref<1x125x64xf32, #tpu.memory_space<vmem>> -> memref<125x64xf32, #tpu.memory_space<vmem>>
      %dma_wait3A_220 = arith.constant 0 : i32
      %dma_wait3A_221 = tpu.memref_slice %arg7[%add3A_214, %dma_wait3A_220] : memref<165x125xi32, #tpu.memory_space<vmem>> -> memref<1x125xi32, #tpu.memory_space<vmem>>
      %dma_wait3A_222 = tpu.memref_squeeze %dma_wait3A_221 : memref<1x125xi32, #tpu.memory_space<vmem>> -> memref<125xi32, #tpu.memory_space<vmem>>
      %dma_wait3A_223 = arith.constant 0 : i32
      %dma_wait3A_224 = arith.constant 0 : i32
      %dma_wait3A_225 = tpu.memref_slice %arg2[%dma_wait3A_223, %dma_wait3A_224] : memref<20000x64xf32, #tpu.memory_space<hbm>> -> memref<20000x64xf32, #tpu.memory_space<hbm>>
      tpu.wait_indirect_dma semaphore(%arg15 : memref<!tpu.dma_semaphore, #tpu.memory_space<semaphore_mem>>) src(%dma_wait3A_225 : memref<20000x64xf32, #tpu.memory_space<hbm>>) dst(%dma_wait3A_219 : memref<125x64xf32, #tpu.memory_space<vmem>>)
      %add3A_226 = arith.constant 4 : i32
      %add3A_227 = arith.addi %mul3A_109, %add3A_226 : i32
      %dma_start3A_228 = arith.constant 4 : i32
      %dma_start3A_229 = arith.constant 0 : i32
      %dma_start3A_230 = arith.constant 0 : i32
      %dma_start3A_231 = tpu.memref_slice %arg9[%dma_start3A_228, %dma_start3A_229, %dma_start3A_230] : memref<5x125x64xf32, #tpu.memory_space<vmem>> -> memref<1x125x64xf32, #tpu.memory_space<vmem>>
      %dma_start3A_232 = tpu.memref_squeeze %dma_start3A_231 : memref<1x125x64xf32, #tpu.memory_space<vmem>> -> memref<125x64xf32, #tpu.memory_space<vmem>>
      %dma_start3A_233 = arith.constant 0 : i32
      %dma_start3A_234 = tpu.memref_slice %arg8[%add3A_227, %dma_start3A_233] : memref<165x125xi32, #tpu.memory_space<vmem>> -> memref<1x125xi32, #tpu.memory_space<vmem>>
      %dma_start3A_235 = tpu.memref_squeeze %dma_start3A_234 : memref<1x125xi32, #tpu.memory_space<vmem>> -> memref<125xi32, #tpu.memory_space<vmem>>
      %dma_start3A_236 = arith.constant 0 : i32
      %dma_start3A_237 = arith.constant 0 : i32
      %dma_start3A_238 = tpu.memref_slice %arg10[%dma_start3A_236, %dma_start3A_237] : memref<10240x64xf32, #tpu.memory_space<vmem_shared>> -> memref<10240x64xf32, #tpu.memory_space<vmem_shared>>
      tpu.enqueue_indirect_dma source(%dma_start3A_232 : memref<125x64xf32, #tpu.memory_space<vmem>>) target(%dma_start3A_238 : memref<10240x64xf32, #tpu.memory_space<vmem_shared>>) offsets(%dma_start3A_235 : memref<125xi32, #tpu.memory_space<vmem>>) semaphore(%arg20 : memref<!tpu.dma_semaphore, #tpu.memory_space<semaphore_mem>>) {add = true}
      %add3A_239 = arith.constant 0 : i32
      %add3A_240 = arith.addi %mul3A_109, %add3A_239 : i32
      %dma_wait3A_241 = arith.constant 0 : i32
      %dma_wait3A_242 = arith.constant 0 : i32
      %dma_wait3A_243 = arith.constant 0 : i32
      %dma_wait3A_244 = tpu.memref_slice %arg9[%dma_wait3A_241, %dma_wait3A_242, %dma_wait3A_243] : memref<5x125x64xf32, #tpu.memory_space<vmem>> -> memref<1x125x64xf32, #tpu.memory_space<vmem>>
      %dma_wait3A_245 = tpu.memref_squeeze %dma_wait3A_244 : memref<1x125x64xf32, #tpu.memory_space<vmem>> -> memref<125x64xf32, #tpu.memory_space<vmem>>
      %dma_wait3A_246 = arith.constant 0 : i32
      %dma_wait3A_247 = tpu.memref_slice %arg8[%add3A_240, %dma_wait3A_246] : memref<165x125xi32, #tpu.memory_space<vmem>> -> memref<1x125xi32, #tpu.memory_space<vmem>>
      %dma_wait3A_248 = tpu.memref_squeeze %dma_wait3A_247 : memref<1x125xi32, #tpu.memory_space<vmem>> -> memref<125xi32, #tpu.memory_space<vmem>>
      %dma_wait3A_249 = arith.constant 0 : i32
      %dma_wait3A_250 = arith.constant 0 : i32
      %dma_wait3A_251 = tpu.memref_slice %arg10[%dma_wait3A_249, %dma_wait3A_250] : memref<10240x64xf32, #tpu.memory_space<vmem_shared>> -> memref<10240x64xf32, #tpu.memory_space<vmem_shared>>
      tpu.wait_indirect_dma semaphore(%arg16 : memref<!tpu.dma_semaphore, #tpu.memory_space<semaphore_mem>>) src(%dma_wait3A_245 : memref<125x64xf32, #tpu.memory_space<vmem>>) dst(%dma_wait3A_251 : memref<10240x64xf32, #tpu.memory_space<vmem_shared>>)
      %add3A_252 = arith.constant 0 : i32
      %add3A_253 = arith.addi %mul3A_109, %add3A_252 : i32
      %add3A_254 = arith.constant 5 : i32
      %add3A_255 = arith.addi %add3A_253, %add3A_254 : i32
      %lt3A = arith.constant 165 : i32
      %lt3A_256 = arith.cmpi slt, %add3A_255, %lt3A : i32
      %convert_element_type3A = arith.extui %lt3A_256 : i1 to i32
      %cond3A = arith.constant 0 : i32
      %cond3A_257 = arith.cmpi ne, %convert_element_type3A, %cond3A : i32
      scf.if %cond3A_257 {
        %add3A_346 = arith.constant 0 : i32
        %add3A_347 = arith.addi %mul3A_109, %add3A_346 : i32
        %add3A_348 = arith.constant 5 : i32
        %add3A_349 = arith.addi %add3A_347, %add3A_348 : i32
        %dma_start3A_350 = arith.constant 0 : i32
        %dma_start3A_351 = arith.constant 0 : i32
        %dma_start3A_352 = arith.constant 0 : i32
        %dma_start3A_353 = tpu.memref_slice %arg9[%dma_start3A_350, %dma_start3A_351, %dma_start3A_352] : memref<5x125x64xf32, #tpu.memory_space<vmem>> -> memref<1x125x64xf32, #tpu.memory_space<vmem>>
        %dma_start3A_354 = tpu.memref_squeeze %dma_start3A_353 : memref<1x125x64xf32, #tpu.memory_space<vmem>> -> memref<125x64xf32, #tpu.memory_space<vmem>>
        %dma_start3A_355 = arith.constant 0 : i32
        %dma_start3A_356 = tpu.memref_slice %arg7[%add3A_349, %dma_start3A_355] : memref<165x125xi32, #tpu.memory_space<vmem>> -> memref<1x125xi32, #tpu.memory_space<vmem>>
        %dma_start3A_357 = tpu.memref_squeeze %dma_start3A_356 : memref<1x125xi32, #tpu.memory_space<vmem>> -> memref<125xi32, #tpu.memory_space<vmem>>
        %dma_start3A_358 = arith.constant 0 : i32
        %dma_start3A_359 = arith.constant 0 : i32
        %dma_start3A_360 = tpu.memref_slice %arg2[%dma_start3A_358, %dma_start3A_359] : memref<20000x64xf32, #tpu.memory_space<hbm>> -> memref<20000x64xf32, #tpu.memory_space<hbm>>
        tpu.enqueue_indirect_dma source(%dma_start3A_360 : memref<20000x64xf32, #tpu.memory_space<hbm>>) target(%dma_start3A_354 : memref<125x64xf32, #tpu.memory_space<vmem>>) offsets(%dma_start3A_357 : memref<125xi32, #tpu.memory_space<vmem>>) semaphore(%arg11 : memref<!tpu.dma_semaphore, #tpu.memory_space<semaphore_mem>>)
      } else {
      }
      %add3A_258 = arith.constant 1 : i32
      %add3A_259 = arith.addi %mul3A_109, %add3A_258 : i32
      %dma_wait3A_260 = arith.constant 1 : i32
      %dma_wait3A_261 = arith.constant 0 : i32
      %dma_wait3A_262 = arith.constant 0 : i32
      %dma_wait3A_263 = tpu.memref_slice %arg9[%dma_wait3A_260, %dma_wait3A_261, %dma_wait3A_262] : memref<5x125x64xf32, #tpu.memory_space<vmem>> -> memref<1x125x64xf32, #tpu.memory_space<vmem>>
      %dma_wait3A_264 = tpu.memref_squeeze %dma_wait3A_263 : memref<1x125x64xf32, #tpu.memory_space<vmem>> -> memref<125x64xf32, #tpu.memory_space<vmem>>
      %dma_wait3A_265 = arith.constant 0 : i32
      %dma_wait3A_266 = tpu.memref_slice %arg8[%add3A_259, %dma_wait3A_265] : memref<165x125xi32, #tpu.memory_space<vmem>> -> memref<1x125xi32, #tpu.memory_space<vmem>>
      %dma_wait3A_267 = tpu.memref_squeeze %dma_wait3A_266 : memref<1x125xi32, #tpu.memory_space<vmem>> -> memref<125xi32, #tpu.memory_space<vmem>>
      %dma_wait3A_268 = arith.constant 0 : i32
      %dma_wait3A_269 = arith.constant 0 : i32
      %dma_wait3A_270 = tpu.memref_slice %arg10[%dma_wait3A_268, %dma_wait3A_269] : memref<10240x64xf32, #tpu.memory_space<vmem_shared>> -> memref<10240x64xf32, #tpu.memory_space<vmem_shared>>
      tpu.wait_indirect_dma semaphore(%arg17 : memref<!tpu.dma_semaphore, #tpu.memory_space<semaphore_mem>>) src(%dma_wait3A_264 : memref<125x64xf32, #tpu.memory_space<vmem>>) dst(%dma_wait3A_270 : memref<10240x64xf32, #tpu.memory_space<vmem_shared>>)
      %add3A_271 = arith.constant 1 : i32
      %add3A_272 = arith.addi %mul3A_109, %add3A_271 : i32
      %add3A_273 = arith.constant 5 : i32
      %add3A_274 = arith.addi %add3A_272, %add3A_273 : i32
      %lt3A_275 = arith.constant 165 : i32
      %lt3A_276 = arith.cmpi slt, %add3A_274, %lt3A_275 : i32
      %convert_element_type3A_277 = arith.extui %lt3A_276 : i1 to i32
      %cond3A_278 = arith.constant 0 : i32
      %cond3A_279 = arith.cmpi ne, %convert_element_type3A_277, %cond3A_278 : i32
      scf.if %cond3A_279 {
        %add3A_346 = arith.constant 1 : i32
        %add3A_347 = arith.addi %mul3A_109, %add3A_346 : i32
        %add3A_348 = arith.constant 5 : i32
        %add3A_349 = arith.addi %add3A_347, %add3A_348 : i32
        %dma_start3A_350 = arith.constant 1 : i32
        %dma_start3A_351 = arith.constant 0 : i32
        %dma_start3A_352 = arith.constant 0 : i32
        %dma_start3A_353 = tpu.memref_slice %arg9[%dma_start3A_350, %dma_start3A_351, %dma_start3A_352] : memref<5x125x64xf32, #tpu.memory_space<vmem>> -> memref<1x125x64xf32, #tpu.memory_space<vmem>>
        %dma_start3A_354 = tpu.memref_squeeze %dma_start3A_353 : memref<1x125x64xf32, #tpu.memory_space<vmem>> -> memref<125x64xf32, #tpu.memory_space<vmem>>
        %dma_start3A_355 = arith.constant 0 : i32
        %dma_start3A_356 = tpu.memref_slice %arg7[%add3A_349, %dma_start3A_355] : memref<165x125xi32, #tpu.memory_space<vmem>> -> memref<1x125xi32, #tpu.memory_space<vmem>>
        %dma_start3A_357 = tpu.memref_squeeze %dma_start3A_356 : memref<1x125xi32, #tpu.memory_space<vmem>> -> memref<125xi32, #tpu.memory_space<vmem>>
        %dma_start3A_358 = arith.constant 0 : i32
        %dma_start3A_359 = arith.constant 0 : i32
        %dma_start3A_360 = tpu.memref_slice %arg2[%dma_start3A_358, %dma_start3A_359] : memref<20000x64xf32, #tpu.memory_space<hbm>> -> memref<20000x64xf32, #tpu.memory_space<hbm>>
        tpu.enqueue_indirect_dma source(%dma_start3A_360 : memref<20000x64xf32, #tpu.memory_space<hbm>>) target(%dma_start3A_354 : memref<125x64xf32, #tpu.memory_space<vmem>>) offsets(%dma_start3A_357 : memref<125xi32, #tpu.memory_space<vmem>>) semaphore(%arg12 : memref<!tpu.dma_semaphore, #tpu.memory_space<semaphore_mem>>)
      } else {
      }
      %add3A_280 = arith.constant 2 : i32
      %add3A_281 = arith.addi %mul3A_109, %add3A_280 : i32
      %dma_wait3A_282 = arith.constant 2 : i32
      %dma_wait3A_283 = arith.constant 0 : i32
      %dma_wait3A_284 = arith.constant 0 : i32
      %dma_wait3A_285 = tpu.memref_slice %arg9[%dma_wait3A_282, %dma_wait3A_283, %dma_wait3A_284] : memref<5x125x64xf32, #tpu.memory_space<vmem>> -> memref<1x125x64xf32, #tpu.memory_space<vmem>>
      %dma_wait3A_286 = tpu.memref_squeeze %dma_wait3A_285 : memref<1x125x64xf32, #tpu.memory_space<vmem>> -> memref<125x64xf32, #tpu.memory_space<vmem>>
      %dma_wait3A_287 = arith.constant 0 : i32
      %dma_wait3A_288 = tpu.memref_slice %arg8[%add3A_281, %dma_wait3A_287] : memref<165x125xi32, #tpu.memory_space<vmem>> -> memref<1x125xi32, #tpu.memory_space<vmem>>
      %dma_wait3A_289 = tpu.memref_squeeze %dma_wait3A_288 : memref<1x125xi32, #tpu.memory_space<vmem>> -> memref<125xi32, #tpu.memory_space<vmem>>
      %dma_wait3A_290 = arith.constant 0 : i32
      %dma_wait3A_291 = arith.constant 0 : i32
      %dma_wait3A_292 = tpu.memref_slice %arg10[%dma_wait3A_290, %dma_wait3A_291] : memref<10240x64xf32, #tpu.memory_space<vmem_shared>> -> memref<10240x64xf32, #tpu.memory_space<vmem_shared>>
      tpu.wait_indirect_dma semaphore(%arg18 : memref<!tpu.dma_semaphore, #tpu.memory_space<semaphore_mem>>) src(%dma_wait3A_286 : memref<125x64xf32, #tpu.memory_space<vmem>>) dst(%dma_wait3A_292 : memref<10240x64xf32, #tpu.memory_space<vmem_shared>>)
      %add3A_293 = arith.constant 2 : i32
      %add3A_294 = arith.addi %mul3A_109, %add3A_293 : i32
      %add3A_295 = arith.constant 5 : i32
      %add3A_296 = arith.addi %add3A_294, %add3A_295 : i32
      %lt3A_297 = arith.constant 165 : i32
      %lt3A_298 = arith.cmpi slt, %add3A_296, %lt3A_297 : i32
      %convert_element_type3A_299 = arith.extui %lt3A_298 : i1 to i32
      %cond3A_300 = arith.constant 0 : i32
      %cond3A_301 = arith.cmpi ne, %convert_element_type3A_299, %cond3A_300 : i32
      scf.if %cond3A_301 {
        %add3A_346 = arith.constant 2 : i32
        %add3A_347 = arith.addi %mul3A_109, %add3A_346 : i32
        %add3A_348 = arith.constant 5 : i32
        %add3A_349 = arith.addi %add3A_347, %add3A_348 : i32
        %dma_start3A_350 = arith.constant 2 : i32
        %dma_start3A_351 = arith.constant 0 : i32
        %dma_start3A_352 = arith.constant 0 : i32
        %dma_start3A_353 = tpu.memref_slice %arg9[%dma_start3A_350, %dma_start3A_351, %dma_start3A_352] : memref<5x125x64xf32, #tpu.memory_space<vmem>> -> memref<1x125x64xf32, #tpu.memory_space<vmem>>
        %dma_start3A_354 = tpu.memref_squeeze %dma_start3A_353 : memref<1x125x64xf32, #tpu.memory_space<vmem>> -> memref<125x64xf32, #tpu.memory_space<vmem>>
        %dma_start3A_355 = arith.constant 0 : i32
        %dma_start3A_356 = tpu.memref_slice %arg7[%add3A_349, %dma_start3A_355] : memref<165x125xi32, #tpu.memory_space<vmem>> -> memref<1x125xi32, #tpu.memory_space<vmem>>
        %dma_start3A_357 = tpu.memref_squeeze %dma_start3A_356 : memref<1x125xi32, #tpu.memory_space<vmem>> -> memref<125xi32, #tpu.memory_space<vmem>>
        %dma_start3A_358 = arith.constant 0 : i32
        %dma_start3A_359 = arith.constant 0 : i32
        %dma_start3A_360 = tpu.memref_slice %arg2[%dma_start3A_358, %dma_start3A_359] : memref<20000x64xf32, #tpu.memory_space<hbm>> -> memref<20000x64xf32, #tpu.memory_space<hbm>>
        tpu.enqueue_indirect_dma source(%dma_start3A_360 : memref<20000x64xf32, #tpu.memory_space<hbm>>) target(%dma_start3A_354 : memref<125x64xf32, #tpu.memory_space<vmem>>) offsets(%dma_start3A_357 : memref<125xi32, #tpu.memory_space<vmem>>) semaphore(%arg13 : memref<!tpu.dma_semaphore, #tpu.memory_space<semaphore_mem>>)
      } else {
      }
      %add3A_302 = arith.constant 3 : i32
      %add3A_303 = arith.addi %mul3A_109, %add3A_302 : i32
      %dma_wait3A_304 = arith.constant 3 : i32
      %dma_wait3A_305 = arith.constant 0 : i32
      %dma_wait3A_306 = arith.constant 0 : i32
      %dma_wait3A_307 = tpu.memref_slice %arg9[%dma_wait3A_304, %dma_wait3A_305, %dma_wait3A_306] : memref<5x125x64xf32, #tpu.memory_space<vmem>> -> memref<1x125x64xf32, #tpu.memory_space<vmem>>
      %dma_wait3A_308 = tpu.memref_squeeze %dma_wait3A_307 : memref<1x125x64xf32, #tpu.memory_space<vmem>> -> memref<125x64xf32, #tpu.memory_space<vmem>>
      %dma_wait3A_309 = arith.constant 0 : i32
      %dma_wait3A_310 = tpu.memref_slice %arg8[%add3A_303, %dma_wait3A_309] : memref<165x125xi32, #tpu.memory_space<vmem>> -> memref<1x125xi32, #tpu.memory_space<vmem>>
      %dma_wait3A_311 = tpu.memref_squeeze %dma_wait3A_310 : memref<1x125xi32, #tpu.memory_space<vmem>> -> memref<125xi32, #tpu.memory_space<vmem>>
      %dma_wait3A_312 = arith.constant 0 : i32
      %dma_wait3A_313 = arith.constant 0 : i32
      %dma_wait3A_314 = tpu.memref_slice %arg10[%dma_wait3A_312, %dma_wait3A_313] : memref<10240x64xf32, #tpu.memory_space<vmem_shared>> -> memref<10240x64xf32, #tpu.memory_space<vmem_shared>>
      tpu.wait_indirect_dma semaphore(%arg19 : memref<!tpu.dma_semaphore, #tpu.memory_space<semaphore_mem>>) src(%dma_wait3A_308 : memref<125x64xf32, #tpu.memory_space<vmem>>) dst(%dma_wait3A_314 : memref<10240x64xf32, #tpu.memory_space<vmem_shared>>)
      %add3A_315 = arith.constant 3 : i32
      %add3A_316 = arith.addi %mul3A_109, %add3A_315 : i32
      %add3A_317 = arith.constant 5 : i32
      %add3A_318 = arith.addi %add3A_316, %add3A_317 : i32
      %lt3A_319 = arith.constant 165 : i32
      %lt3A_320 = arith.cmpi slt, %add3A_318, %lt3A_319 : i32
      %convert_element_type3A_321 = arith.extui %lt3A_320 : i1 to i32
      %cond3A_322 = arith.constant 0 : i32
      %cond3A_323 = arith.cmpi ne, %convert_element_type3A_321, %cond3A_322 : i32
      scf.if %cond3A_323 {
        %add3A_346 = arith.constant 3 : i32
        %add3A_347 = arith.addi %mul3A_109, %add3A_346 : i32
        %add3A_348 = arith.constant 5 : i32
        %add3A_349 = arith.addi %add3A_347, %add3A_348 : i32
        %dma_start3A_350 = arith.constant 3 : i32
        %dma_start3A_351 = arith.constant 0 : i32
        %dma_start3A_352 = arith.constant 0 : i32
        %dma_start3A_353 = tpu.memref_slice %arg9[%dma_start3A_350, %dma_start3A_351, %dma_start3A_352] : memref<5x125x64xf32, #tpu.memory_space<vmem>> -> memref<1x125x64xf32, #tpu.memory_space<vmem>>
        %dma_start3A_354 = tpu.memref_squeeze %dma_start3A_353 : memref<1x125x64xf32, #tpu.memory_space<vmem>> -> memref<125x64xf32, #tpu.memory_space<vmem>>
        %dma_start3A_355 = arith.constant 0 : i32
        %dma_start3A_356 = tpu.memref_slice %arg7[%add3A_349, %dma_start3A_355] : memref<165x125xi32, #tpu.memory_space<vmem>> -> memref<1x125xi32, #tpu.memory_space<vmem>>
        %dma_start3A_357 = tpu.memref_squeeze %dma_start3A_356 : memref<1x125xi32, #tpu.memory_space<vmem>> -> memref<125xi32, #tpu.memory_space<vmem>>
        %dma_start3A_358 = arith.constant 0 : i32
        %dma_start3A_359 = arith.constant 0 : i32
        %dma_start3A_360 = tpu.memref_slice %arg2[%dma_start3A_358, %dma_start3A_359] : memref<20000x64xf32, #tpu.memory_space<hbm>> -> memref<20000x64xf32, #tpu.memory_space<hbm>>
        tpu.enqueue_indirect_dma source(%dma_start3A_360 : memref<20000x64xf32, #tpu.memory_space<hbm>>) target(%dma_start3A_354 : memref<125x64xf32, #tpu.memory_space<vmem>>) offsets(%dma_start3A_357 : memref<125xi32, #tpu.memory_space<vmem>>) semaphore(%arg14 : memref<!tpu.dma_semaphore, #tpu.memory_space<semaphore_mem>>)
      } else {
      }
      %add3A_324 = arith.constant 4 : i32
      %add3A_325 = arith.addi %mul3A_109, %add3A_324 : i32
      %dma_wait3A_326 = arith.constant 4 : i32
      %dma_wait3A_327 = arith.constant 0 : i32
      %dma_wait3A_328 = arith.constant 0 : i32
      %dma_wait3A_329 = tpu.memref_slice %arg9[%dma_wait3A_326, %dma_wait3A_327, %dma_wait3A_328] : memref<5x125x64xf32, #tpu.memory_space<vmem>> -> memref<1x125x64xf32, #tpu.memory_space<vmem>>
      %dma_wait3A_330 = tpu.memref_squeeze %dma_wait3A_329 : memref<1x125x64xf32, #tpu.memory_space<vmem>> -> memref<125x64xf32, #tpu.memory_space<vmem>>
      %dma_wait3A_331 = arith.constant 0 : i32
      %dma_wait3A_332 = tpu.memref_slice %arg8[%add3A_325, %dma_wait3A_331] : memref<165x125xi32, #tpu.memory_space<vmem>> -> memref<1x125xi32, #tpu.memory_space<vmem>>
      %dma_wait3A_333 = tpu.memref_squeeze %dma_wait3A_332 : memref<1x125xi32, #tpu.memory_space<vmem>> -> memref<125xi32, #tpu.memory_space<vmem>>
      %dma_wait3A_334 = arith.constant 0 : i32
      %dma_wait3A_335 = arith.constant 0 : i32
      %dma_wait3A_336 = tpu.memref_slice %arg10[%dma_wait3A_334, %dma_wait3A_335] : memref<10240x64xf32, #tpu.memory_space<vmem_shared>> -> memref<10240x64xf32, #tpu.memory_space<vmem_shared>>
      tpu.wait_indirect_dma semaphore(%arg20 : memref<!tpu.dma_semaphore, #tpu.memory_space<semaphore_mem>>) src(%dma_wait3A_330 : memref<125x64xf32, #tpu.memory_space<vmem>>) dst(%dma_wait3A_336 : memref<10240x64xf32, #tpu.memory_space<vmem_shared>>)
      %add3A_337 = arith.constant 4 : i32
      %add3A_338 = arith.addi %mul3A_109, %add3A_337 : i32
      %add3A_339 = arith.constant 5 : i32
      %add3A_340 = arith.addi %add3A_338, %add3A_339 : i32
      %lt3A_341 = arith.constant 165 : i32
      %lt3A_342 = arith.cmpi slt, %add3A_340, %lt3A_341 : i32
      %convert_element_type3A_343 = arith.extui %lt3A_342 : i1 to i32
      %cond3A_344 = arith.constant 0 : i32
      %cond3A_345 = arith.cmpi ne, %convert_element_type3A_343, %cond3A_344 : i32
      scf.if %cond3A_345 {
        %add3A_346 = arith.constant 4 : i32
        %add3A_347 = arith.addi %mul3A_109, %add3A_346 : i32
        %add3A_348 = arith.constant 5 : i32
        %add3A_349 = arith.addi %add3A_347, %add3A_348 : i32
        %dma_start3A_350 = arith.constant 4 : i32
        %dma_start3A_351 = arith.constant 0 : i32
        %dma_start3A_352 = arith.constant 0 : i32
        %dma_start3A_353 = tpu.memref_slice %arg9[%dma_start3A_350, %dma_start3A_351, %dma_start3A_352] : memref<5x125x64xf32, #tpu.memory_space<vmem>> -> memref<1x125x64xf32, #tpu.memory_space<vmem>>
        %dma_start3A_354 = tpu.memref_squeeze %dma_start3A_353 : memref<1x125x64xf32, #tpu.memory_space<vmem>> -> memref<125x64xf32, #tpu.memory_space<vmem>>
        %dma_start3A_355 = arith.constant 0 : i32
        %dma_start3A_356 = tpu.memref_slice %arg7[%add3A_349, %dma_start3A_355] : memref<165x125xi32, #tpu.memory_space<vmem>> -> memref<1x125xi32, #tpu.memory_space<vmem>>
        %dma_start3A_357 = tpu.memref_squeeze %dma_start3A_356 : memref<1x125xi32, #tpu.memory_space<vmem>> -> memref<125xi32, #tpu.memory_space<vmem>>
        %dma_start3A_358 = arith.constant 0 : i32
        %dma_start3A_359 = arith.constant 0 : i32
        %dma_start3A_360 = tpu.memref_slice %arg2[%dma_start3A_358, %dma_start3A_359] : memref<20000x64xf32, #tpu.memory_space<hbm>> -> memref<20000x64xf32, #tpu.memory_space<hbm>>
        tpu.enqueue_indirect_dma source(%dma_start3A_360 : memref<20000x64xf32, #tpu.memory_space<hbm>>) target(%dma_start3A_354 : memref<125x64xf32, #tpu.memory_space<vmem>>) offsets(%dma_start3A_357 : memref<125xi32, #tpu.memory_space<vmem>>) semaphore(%arg15 : memref<!tpu.dma_semaphore, #tpu.memory_space<semaphore_mem>>)
      } else {
      }
    }
    %scan3A_99 = arith.constant 33 : i32
    %barrier3A_100 = arith.constant 0 : index
    tpu.barrier barrier_id(%barrier3A_100)
    %mul3A_101 = arith.constant 640 : i32
    %mul3A_102 = arith.muli %arg1, %mul3A_101 : i32
    %mul3A_103 = arith.constant 640 : i32
    %mul3A_104 = arith.muli %arg1, %mul3A_103 : i32
    %mul3A_105 = arith.constant 64 : i32
    %mul3A_106 = arith.muli %arg0, %mul3A_105 : i32
    "tpu.region"() ({
      %run_scoped3A = tpu.sem_alloc : memref<!tpu.dma_semaphore, #tpu.memory_space<semaphore_mem>>
      %dma_start3A_107 = tpu.memref_slice %arg6[%mul3A_104, %mul3A_106] : memref<10240x128xf32, #tpu.memory_space<hbm>> -> memref<640x64xf32, #tpu.memory_space<hbm>>
      %dma_start3A_108 = arith.constant 0 : i32
      %dma_start3A_109 = tpu.memref_slice %arg10[%mul3A_102, %dma_start3A_108] : memref<10240x64xf32, #tpu.memory_space<vmem_shared>> -> memref<640x64xf32, #tpu.memory_space<vmem_shared>>
      tpu.enqueue_dma source(%dma_start3A_109 : memref<640x64xf32, #tpu.memory_space<vmem_shared>>) target(%dma_start3A_107 : memref<640x64xf32, #tpu.memory_space<hbm>>) target_semaphore(%run_scoped3A : memref<!tpu.dma_semaphore, #tpu.memory_space<semaphore_mem>>)
      %dma_wait3A_110 = tpu.memref_slice %arg6[%mul3A_104, %mul3A_106] : memref<10240x128xf32, #tpu.memory_space<hbm>> -> memref<640x64xf32, #tpu.memory_space<hbm>>
      %dma_wait3A_111 = arith.constant 0 : i32
      %dma_wait3A_112 = tpu.memref_slice %arg10[%mul3A_102, %dma_wait3A_111] : memref<10240x64xf32, #tpu.memory_space<vmem_shared>> -> memref<640x64xf32, #tpu.memory_space<vmem_shared>>
      tpu.wait_dma2 semaphore(%run_scoped3A : memref<!tpu.dma_semaphore, #tpu.memory_space<semaphore_mem>>) src(%dma_wait3A_112 : memref<640x64xf32, #tpu.memory_space<vmem_shared>>) dst(%dma_wait3A_110 : memref<640x64xf32, #tpu.memory_space<hbm>>)
      tpu.yield
    }) : () -> ()
    return
  }
}

#map = affine_map<(d0, d1) -> (0, 0)>
#map1 = affine_map<(d0, d1) -> (0, 0, 0)>
module attributes {stable_mosaic.version = 14 : i64} {
  func.func @deg_kernel(%arg0: i32, %arg1: i32, %arg2: memref<2x320000xi32, #tpu.memory_space<hbm>>, %arg3: memref<2x16x10000xf32, #tpu.memory_space<hbm>>, %arg4: memref<10000xi32, #tpu.memory_space<vmem>>, %arg5: memref<10000xf32, #tpu.memory_space<vmem>>, %arg6: memref<!tpu.dma_semaphore, #tpu.memory_space<semaphore_mem>>) attributes {dimension_semantics = [#tpu.dimension_semantics<core_parallel>, #tpu.dimension_semantics<subcore_parallel>], iteration_bounds = array<i64: 2, 16>, scalar_prefetch = 0 : i64, scratch_operands = 3 : i64, tpu.core_type = #tpu.core_type<sc_vector_subcore>, window_params = [{transform_indices = #map}, {transform_indices = #map1}]} {
    %mul3A = arith.constant 16 : i32
    %mul3A_0 = arith.muli %arg0, %mul3A : i32
    %add3A = arith.addi %mul3A_0, %arg1 : i32
    %mul3A_1 = arith.constant 10000 : i32
    %mul3A_2 = arith.muli %add3A, %mul3A_1 : i32
    %dma_start3A = arith.constant 1 : i32
    %dma_start3A_3 = tpu.memref_slice %arg2[%dma_start3A, %mul3A_2] : memref<2x320000xi32, #tpu.memory_space<hbm>> -> memref<1x10000xi32, #tpu.memory_space<hbm>>
    %dma_start3A_4 = tpu.memref_squeeze %dma_start3A_3 : memref<1x10000xi32, #tpu.memory_space<hbm>> -> memref<10000xi32, #tpu.memory_space<hbm>>
    %dma_start3A_5 = tpu.memref_slice %arg2[%dma_start3A, %mul3A_2] : memref<2x320000xi32, #tpu.memory_space<hbm>> -> memref<1x10000xi32, #tpu.memory_space<hbm>>
    %dma_start3A_6 = tpu.memref_squeeze %dma_start3A_5 : memref<1x10000xi32, #tpu.memory_space<hbm>> -> memref<10000xi32, #tpu.memory_space<hbm>>
    tpu.enqueue_dma source(%dma_start3A_6 : memref<10000xi32, #tpu.memory_space<hbm>>) target(%arg4 : memref<10000xi32, #tpu.memory_space<vmem>>) target_semaphore(%arg6 : memref<!tpu.dma_semaphore, #tpu.memory_space<semaphore_mem>>)
    %broadcast_in_dim3A = arith.constant 0.000000e+00 : f32
    %broadcast_in_dim3A_7 = vector.broadcast %broadcast_in_dim3A : f32 to vector<16xf32>
    %scan3A = arith.constant 0 : i32
    %scan3A_8 = arith.constant 0 : i32
    %scan3A_9 = arith.constant 625 : i32
    %scan3A_10 = arith.addi %scan3A_8, %scan3A_9 : i32
    %scan3A_11 = arith.constant 1 : i32
    scf.for %scan3A_25 = %scan3A_8 to %scan3A_10 step %scan3A_11  : i32 {
      %mul3A_26 = arith.constant 16 : i32
      %mul3A_27 = arith.muli %scan3A_25, %mul3A_26 : i32
      %swap3A = arith.index_cast %mul3A_27 : i32 to index
      %swap3A_28 = tpu.vector_load %arg5[%swap3A] {strides = array<i32>} : memref<10000xf32, #tpu.memory_space<vmem>>, vector<16xf32>,
      tpu.vector_store %arg5[%swap3A], %broadcast_in_dim3A_7 {strides = array<i32>} : memref<10000xf32, #tpu.memory_space<vmem>>, vector<16xf32>,
    }
    %scan3A_12 = arith.constant 625 : i32
    %dma_wait3A = arith.constant 1 : i32
    %dma_wait3A_13 = tpu.memref_slice %arg2[%dma_wait3A, %mul3A_2] : memref<2x320000xi32, #tpu.memory_space<hbm>> -> memref<1x10000xi32, #tpu.memory_space<hbm>>
    %dma_wait3A_14 = tpu.memref_squeeze %dma_wait3A_13 : memref<1x10000xi32, #tpu.memory_space<hbm>> -> memref<10000xi32, #tpu.memory_space<hbm>>
    %dma_wait3A_15 = tpu.memref_slice %arg2[%dma_wait3A, %mul3A_2] : memref<2x320000xi32, #tpu.memory_space<hbm>> -> memref<1x10000xi32, #tpu.memory_space<hbm>>
    %dma_wait3A_16 = tpu.memref_squeeze %dma_wait3A_15 : memref<1x10000xi32, #tpu.memory_space<hbm>> -> memref<10000xi32, #tpu.memory_space<hbm>>
    tpu.wait_dma2 semaphore(%arg6 : memref<!tpu.dma_semaphore, #tpu.memory_space<semaphore_mem>>) src(%dma_wait3A_16 : memref<10000xi32, #tpu.memory_space<hbm>>) dst(%arg4 : memref<10000xi32, #tpu.memory_space<vmem>>)
    %broadcast_in_dim3A_17 = arith.constant 1.000000e+00 : f32
    %broadcast_in_dim3A_18 = vector.broadcast %broadcast_in_dim3A_17 : f32 to vector<16xf32>
    %scan3A_19 = arith.constant 0 : i32
    %scan3A_20 = arith.constant 0 : i32
    %scan3A_21 = arith.constant 625 : i32
    %scan3A_22 = arith.addi %scan3A_20, %scan3A_21 : i32
    %scan3A_23 = arith.constant 1 : i32
    scf.for %scan3A_25 = %scan3A_20 to %scan3A_22 step %scan3A_23  : i32 {
      %mul3A_26 = arith.constant 16 : i32
      %mul3A_27 = arith.muli %scan3A_25, %mul3A_26 : i32
      %get3A = arith.index_cast %mul3A_27 : i32 to index
      %get3A_28 = tpu.vector_load %arg4[%get3A] {strides = array<i32>} : memref<10000xi32, #tpu.memory_space<vmem>>, vector<16xi32>,
      tpu.vector_store_idx %arg5[%get3A_28], %broadcast_in_dim3A_18 {add = true} : memref<10000xf32, #tpu.memory_space<vmem>>[vector<16xi32>], vector<16xf32>,
    }
    %scan3A_24 = arith.constant 625 : i32
    "tpu.region"() ({
      %run_scoped3A = tpu.sem_alloc : memref<!tpu.dma_semaphore, #tpu.memory_space<semaphore_mem>>
      %dma_start3A_25 = arith.constant 0 : i32
      %dma_start3A_26 = tpu.memref_slice %arg3[%arg0, %arg1, %dma_start3A_25] : memref<2x16x10000xf32, #tpu.memory_space<hbm>> -> memref<1x1x10000xf32, #tpu.memory_space<hbm>>
      %dma_start3A_27 = tpu.memref_squeeze %dma_start3A_26 : memref<1x1x10000xf32, #tpu.memory_space<hbm>> -> memref<10000xf32, #tpu.memory_space<hbm>>
      %dma_start3A_28 = arith.constant 0 : i32
      %dma_start3A_29 = tpu.memref_slice %arg3[%arg0, %arg1, %dma_start3A_28] : memref<2x16x10000xf32, #tpu.memory_space<hbm>> -> memref<1x1x10000xf32, #tpu.memory_space<hbm>>
      %dma_start3A_30 = tpu.memref_squeeze %dma_start3A_29 : memref<1x1x10000xf32, #tpu.memory_space<hbm>> -> memref<10000xf32, #tpu.memory_space<hbm>>
      tpu.enqueue_dma source(%arg5 : memref<10000xf32, #tpu.memory_space<vmem>>) target(%dma_start3A_30 : memref<10000xf32, #tpu.memory_space<hbm>>) target_semaphore(%run_scoped3A : memref<!tpu.dma_semaphore, #tpu.memory_space<semaphore_mem>>)
      %dma_wait3A_31 = arith.constant 0 : i32
      %dma_wait3A_32 = tpu.memref_slice %arg3[%arg0, %arg1, %dma_wait3A_31] : memref<2x16x10000xf32, #tpu.memory_space<hbm>> -> memref<1x1x10000xf32, #tpu.memory_space<hbm>>
      %dma_wait3A_33 = tpu.memref_squeeze %dma_wait3A_32 : memref<1x1x10000xf32, #tpu.memory_space<hbm>> -> memref<10000xf32, #tpu.memory_space<hbm>>
      %dma_wait3A_34 = arith.constant 0 : i32
      %dma_wait3A_35 = tpu.memref_slice %arg3[%arg0, %arg1, %dma_wait3A_34] : memref<2x16x10000xf32, #tpu.memory_space<hbm>> -> memref<1x1x10000xf32, #tpu.memory_space<hbm>>
      %dma_wait3A_36 = tpu.memref_squeeze %dma_wait3A_35 : memref<1x1x10000xf32, #tpu.memory_space<hbm>> -> memref<10000xf32, #tpu.memory_space<hbm>>
      tpu.wait_dma2 semaphore(%run_scoped3A : memref<!tpu.dma_semaphore, #tpu.memory_space<semaphore_mem>>) src(%arg5 : memref<10000xf32, #tpu.memory_space<vmem>>) dst(%dma_wait3A_36 : memref<10000xf32, #tpu.memory_space<hbm>>)
      tpu.yield
    }) : () -> ()
    return
  }
}

#map = affine_map<(d0, d1) -> (0, 0)>
#map1 = affine_map<(d0, d1) -> (0, 0, 0, 0)>
#map2 = affine_map<(d0, d1) -> (0, 0, 0)>
module attributes {stable_mosaic.version = 14 : i64} {
  func.func @scatter_kernel(%arg0: i32, %arg1: i32, %arg2: memref<10000x40xf32, #tpu.memory_space<hbm>>, %arg3: memref<2x16x80x125xi32, #tpu.memory_space<hbm>>, %arg4: memref<2x16x80x125xi32, #tpu.memory_space<hbm>>, %arg5: memref<640x40xf32, #tpu.memory_space<hbm>>, %arg6: memref<2x10240x40xf32, #tpu.memory_space<hbm>>, %arg7: memref<80x125xi32, #tpu.memory_space<vmem>>, %arg8: memref<80x125xi32, #tpu.memory_space<vmem>>, %arg9: memref<5x125x40xf32, #tpu.memory_space<vmem>>, %arg10: memref<10240x40xf32, #tpu.memory_space<vmem_shared>>, %arg11: memref<!tpu.dma_semaphore, #tpu.memory_space<semaphore_mem>>, %arg12: memref<!tpu.dma_semaphore, #tpu.memory_space<semaphore_mem>>, %arg13: memref<!tpu.dma_semaphore, #tpu.memory_space<semaphore_mem>>, %arg14: memref<!tpu.dma_semaphore, #tpu.memory_space<semaphore_mem>>, %arg15: memref<!tpu.dma_semaphore, #tpu.memory_space<semaphore_mem>>, %arg16: memref<!tpu.dma_semaphore, #tpu.memory_space<semaphore_mem>>, %arg17: memref<!tpu.dma_semaphore, #tpu.memory_space<semaphore_mem>>, %arg18: memref<!tpu.dma_semaphore, #tpu.memory_space<semaphore_mem>>, %arg19: memref<!tpu.dma_semaphore, #tpu.memory_space<semaphore_mem>>, %arg20: memref<!tpu.dma_semaphore, #tpu.memory_space<semaphore_mem>>) attributes {dimension_semantics = [#tpu.dimension_semantics<core_parallel>, #tpu.dimension_semantics<subcore_parallel>], iteration_bounds = array<i64: 2, 16>, scalar_prefetch = 0 : i64, scratch_operands = 14 : i64, tpu.core_type = #tpu.core_type<sc_vector_subcore>, window_params = [{transform_indices = #map}, {transform_indices = #map1}, {transform_indices = #map1}, {transform_indices = #map}, {transform_indices = #map2}]} {
    %dma_start3A = arith.constant 0 : i32
    %dma_start3A_0 = arith.constant 0 : i32
    %dma_start3A_1 = tpu.memref_slice %arg3[%arg0, %arg1, %dma_start3A, %dma_start3A_0] : memref<2x16x80x125xi32, #tpu.memory_space<hbm>> -> memref<1x1x80x125xi32, #tpu.memory_space<hbm>>
    %dma_start3A_2 = tpu.memref_squeeze %dma_start3A_1 : memref<1x1x80x125xi32, #tpu.memory_space<hbm>> -> memref<80x125xi32, #tpu.memory_space<hbm>>
    %dma_start3A_3 = arith.constant 0 : i32
    %dma_start3A_4 = arith.constant 0 : i32
    %dma_start3A_5 = tpu.memref_slice %arg3[%arg0, %arg1, %dma_start3A_3, %dma_start3A_4] : memref<2x16x80x125xi32, #tpu.memory_space<hbm>> -> memref<1x1x80x125xi32, #tpu.memory_space<hbm>>
    %dma_start3A_6 = tpu.memref_squeeze %dma_start3A_5 : memref<1x1x80x125xi32, #tpu.memory_space<hbm>> -> memref<80x125xi32, #tpu.memory_space<hbm>>
    tpu.enqueue_dma source(%dma_start3A_6 : memref<80x125xi32, #tpu.memory_space<hbm>>) target(%arg7 : memref<80x125xi32, #tpu.memory_space<vmem>>) target_semaphore(%arg11 : memref<!tpu.dma_semaphore, #tpu.memory_space<semaphore_mem>>)
    %dma_start3A_7 = arith.constant 0 : i32
    %dma_start3A_8 = arith.constant 0 : i32
    %dma_start3A_9 = tpu.memref_slice %arg4[%arg0, %arg1, %dma_start3A_7, %dma_start3A_8] : memref<2x16x80x125xi32, #tpu.memory_space<hbm>> -> memref<1x1x80x125xi32, #tpu.memory_space<hbm>>
    %dma_start3A_10 = tpu.memref_squeeze %dma_start3A_9 : memref<1x1x80x125xi32, #tpu.memory_space<hbm>> -> memref<80x125xi32, #tpu.memory_space<hbm>>
    %dma_start3A_11 = arith.constant 0 : i32
    %dma_start3A_12 = arith.constant 0 : i32
    %dma_start3A_13 = tpu.memref_slice %arg4[%arg0, %arg1, %dma_start3A_11, %dma_start3A_12] : memref<2x16x80x125xi32, #tpu.memory_space<hbm>> -> memref<1x1x80x125xi32, #tpu.memory_space<hbm>>
    %dma_start3A_14 = tpu.memref_squeeze %dma_start3A_13 : memref<1x1x80x125xi32, #tpu.memory_space<hbm>> -> memref<80x125xi32, #tpu.memory_space<hbm>>
    tpu.enqueue_dma source(%dma_start3A_14 : memref<80x125xi32, #tpu.memory_space<hbm>>) target(%arg8 : memref<80x125xi32, #tpu.memory_space<vmem>>) target_semaphore(%arg12 : memref<!tpu.dma_semaphore, #tpu.memory_space<semaphore_mem>>)
    %eq3A = arith.constant 0 : i32
    %eq3A_15 = arith.cmpi eq, %arg0, %eq3A : i32
    %lt3A = arith.constant 15 : i32
    %lt3A_16 = arith.cmpi slt, %arg1, %lt3A : i32
    %and3A = arith.andi %eq3A_15, %lt3A_16 : i1
    %convert_element_type3A = arith.extui %and3A : i1 to i32
    %cond3A = arith.constant 0 : i32
    %cond3A_17 = arith.cmpi ne, %convert_element_type3A, %cond3A : i32
    scf.if %cond3A_17 {
      %mul3A_115 = arith.constant 640 : i32
      %mul3A_116 = arith.muli %arg1, %mul3A_115 : i32
      %mul3A_117 = arith.constant 640 : i32
      %mul3A_118 = arith.muli %arg1, %mul3A_117 : i32
      %dma_start3A_119 = arith.constant 0 : i32
      %dma_start3A_120 = tpu.memref_slice %arg10[%mul3A_118, %dma_start3A_119] : memref<10240x40xf32, #tpu.memory_space<vmem_shared>> -> memref<640x40xf32, #tpu.memory_space<vmem_shared>>
      %dma_start3A_121 = arith.constant 0 : i32
      %dma_start3A_122 = tpu.memref_slice %arg2[%mul3A_116, %dma_start3A_121] : memref<10000x40xf32, #tpu.memory_space<hbm>> -> memref<640x40xf32, #tpu.memory_space<hbm>>
      tpu.enqueue_dma source(%dma_start3A_122 : memref<640x40xf32, #tpu.memory_space<hbm>>) target(%dma_start3A_120 : memref<640x40xf32, #tpu.memory_space<vmem_shared>>) target_semaphore(%arg13 : memref<!tpu.dma_semaphore, #tpu.memory_space<semaphore_mem>>)
      %dma_wait3A_123 = arith.constant 0 : i32
      %dma_wait3A_124 = tpu.memref_slice %arg10[%mul3A_118, %dma_wait3A_123] : memref<10240x40xf32, #tpu.memory_space<vmem_shared>> -> memref<640x40xf32, #tpu.memory_space<vmem_shared>>
      %dma_wait3A_125 = arith.constant 0 : i32
      %dma_wait3A_126 = tpu.memref_slice %arg2[%mul3A_116, %dma_wait3A_125] : memref<10000x40xf32, #tpu.memory_space<hbm>> -> memref<640x40xf32, #tpu.memory_space<hbm>>
      tpu.wait_dma2 semaphore(%arg13 : memref<!tpu.dma_semaphore, #tpu.memory_space<semaphore_mem>>) src(%dma_wait3A_126 : memref<640x40xf32, #tpu.memory_space<hbm>>) dst(%dma_wait3A_124 : memref<640x40xf32, #tpu.memory_space<vmem_shared>>)
    } else {
    }
    %eq3A_18 = arith.constant 0 : i32
    %eq3A_19 = arith.cmpi eq, %arg0, %eq3A_18 : i32
    %eq3A_20 = arith.constant 15 : i32
    %eq3A_21 = arith.cmpi eq, %arg1, %eq3A_20 : i32
    %and3A_22 = arith.andi %eq3A_19, %eq3A_21 : i1
    %convert_element_type3A_23 = arith.extui %and3A_22 : i1 to i32
    %cond3A_24 = arith.constant 0 : i32
    %cond3A_25 = arith.cmpi ne, %convert_element_type3A_23, %cond3A_24 : i32
    scf.if %cond3A_25 {
      %dma_start3A_115 = arith.constant 9600 : i32
      %dma_start3A_116 = arith.constant 0 : i32
      %dma_start3A_117 = tpu.memref_slice %arg10[%dma_start3A_115, %dma_start3A_116] : memref<10240x40xf32, #tpu.memory_space<vmem_shared>> -> memref<400x40xf32, #tpu.memory_space<vmem_shared>>
      %dma_start3A_118 = arith.constant 9600 : i32
      %dma_start3A_119 = arith.constant 0 : i32
      %dma_start3A_120 = tpu.memref_slice %arg2[%dma_start3A_118, %dma_start3A_119] : memref<10000x40xf32, #tpu.memory_space<hbm>> -> memref<400x40xf32, #tpu.memory_space<hbm>>
      tpu.enqueue_dma source(%dma_start3A_120 : memref<400x40xf32, #tpu.memory_space<hbm>>) target(%dma_start3A_117 : memref<400x40xf32, #tpu.memory_space<vmem_shared>>) target_semaphore(%arg13 : memref<!tpu.dma_semaphore, #tpu.memory_space<semaphore_mem>>)
      %dma_wait3A_121 = arith.constant 9600 : i32
      %dma_wait3A_122 = arith.constant 0 : i32
      %dma_wait3A_123 = tpu.memref_slice %arg10[%dma_wait3A_121, %dma_wait3A_122] : memref<10240x40xf32, #tpu.memory_space<vmem_shared>> -> memref<400x40xf32, #tpu.memory_space<vmem_shared>>
      %dma_wait3A_124 = arith.constant 9600 : i32
      %dma_wait3A_125 = arith.constant 0 : i32
      %dma_wait3A_126 = tpu.memref_slice %arg2[%dma_wait3A_124, %dma_wait3A_125] : memref<10000x40xf32, #tpu.memory_space<hbm>> -> memref<400x40xf32, #tpu.memory_space<hbm>>
      tpu.wait_dma2 semaphore(%arg13 : memref<!tpu.dma_semaphore, #tpu.memory_space<semaphore_mem>>) src(%dma_wait3A_126 : memref<400x40xf32, #tpu.memory_space<hbm>>) dst(%dma_wait3A_123 : memref<400x40xf32, #tpu.memory_space<vmem_shared>>)
    } else {
    }
    %eq3A_26 = arith.constant 1 : i32
    %eq3A_27 = arith.cmpi eq, %arg0, %eq3A_26 : i32
    %convert_element_type3A_28 = arith.extui %eq3A_27 : i1 to i32
    %cond3A_29 = arith.constant 0 : i32
    %cond3A_30 = arith.cmpi ne, %convert_element_type3A_28, %cond3A_29 : i32
    scf.if %cond3A_30 {
      %mul3A_115 = arith.constant 640 : i32
      %mul3A_116 = arith.muli %arg1, %mul3A_115 : i32
      %dma_start3A_117 = arith.constant 0 : i32
      %dma_start3A_118 = tpu.memref_slice %arg10[%mul3A_116, %dma_start3A_117] : memref<10240x40xf32, #tpu.memory_space<vmem_shared>> -> memref<640x40xf32, #tpu.memory_space<vmem_shared>>
      tpu.enqueue_dma source(%arg5 : memref<640x40xf32, #tpu.memory_space<hbm>>) target(%dma_start3A_118 : memref<640x40xf32, #tpu.memory_space<vmem_shared>>) target_semaphore(%arg13 : memref<!tpu.dma_semaphore, #tpu.memory_space<semaphore_mem>>)
      %dma_wait3A_119 = arith.constant 0 : i32
      %dma_wait3A_120 = tpu.memref_slice %arg10[%mul3A_116, %dma_wait3A_119] : memref<10240x40xf32, #tpu.memory_space<vmem_shared>> -> memref<640x40xf32, #tpu.memory_space<vmem_shared>>
      tpu.wait_dma2 semaphore(%arg13 : memref<!tpu.dma_semaphore, #tpu.memory_space<semaphore_mem>>) src(%arg5 : memref<640x40xf32, #tpu.memory_space<hbm>>) dst(%dma_wait3A_120 : memref<640x40xf32, #tpu.memory_space<vmem_shared>>)
    } else {
    }
    %dma_wait3A = arith.constant 0 : i32
    %dma_wait3A_31 = arith.constant 0 : i32
    %dma_wait3A_32 = tpu.memref_slice %arg3[%arg0, %arg1, %dma_wait3A, %dma_wait3A_31] : memref<2x16x80x125xi32, #tpu.memory_space<hbm>> -> memref<1x1x80x125xi32, #tpu.memory_space<hbm>>
    %dma_wait3A_33 = tpu.memref_squeeze %dma_wait3A_32 : memref<1x1x80x125xi32, #tpu.memory_space<hbm>> -> memref<80x125xi32, #tpu.memory_space<hbm>>
    %dma_wait3A_34 = arith.constant 0 : i32
    %dma_wait3A_35 = arith.constant 0 : i32
    %dma_wait3A_36 = tpu.memref_slice %arg3[%arg0, %arg1, %dma_wait3A_34, %dma_wait3A_35] : memref<2x16x80x125xi32, #tpu.memory_space<hbm>> -> memref<1x1x80x125xi32, #tpu.memory_space<hbm>>
    %dma_wait3A_37 = tpu.memref_squeeze %dma_wait3A_36 : memref<1x1x80x125xi32, #tpu.memory_space<hbm>> -> memref<80x125xi32, #tpu.memory_space<hbm>>
    tpu.wait_dma2 semaphore(%arg11 : memref<!tpu.dma_semaphore, #tpu.memory_space<semaphore_mem>>) src(%dma_wait3A_37 : memref<80x125xi32, #tpu.memory_space<hbm>>) dst(%arg7 : memref<80x125xi32, #tpu.memory_space<vmem>>)
    %dma_wait3A_38 = arith.constant 0 : i32
    %dma_wait3A_39 = arith.constant 0 : i32
    %dma_wait3A_40 = tpu.memref_slice %arg4[%arg0, %arg1, %dma_wait3A_38, %dma_wait3A_39] : memref<2x16x80x125xi32, #tpu.memory_space<hbm>> -> memref<1x1x80x125xi32, #tpu.memory_space<hbm>>
    %dma_wait3A_41 = tpu.memref_squeeze %dma_wait3A_40 : memref<1x1x80x125xi32, #tpu.memory_space<hbm>> -> memref<80x125xi32, #tpu.memory_space<hbm>>
    %dma_wait3A_42 = arith.constant 0 : i32
    %dma_wait3A_43 = arith.constant 0 : i32
    %dma_wait3A_44 = tpu.memref_slice %arg4[%arg0, %arg1, %dma_wait3A_42, %dma_wait3A_43] : memref<2x16x80x125xi32, #tpu.memory_space<hbm>> -> memref<1x1x80x125xi32, #tpu.memory_space<hbm>>
    %dma_wait3A_45 = tpu.memref_squeeze %dma_wait3A_44 : memref<1x1x80x125xi32, #tpu.memory_space<hbm>> -> memref<80x125xi32, #tpu.memory_space<hbm>>
    tpu.wait_dma2 semaphore(%arg12 : memref<!tpu.dma_semaphore, #tpu.memory_space<semaphore_mem>>) src(%dma_wait3A_45 : memref<80x125xi32, #tpu.memory_space<hbm>>) dst(%arg8 : memref<80x125xi32, #tpu.memory_space<vmem>>)
    %barrier3A = arith.constant 0 : index
    tpu.barrier barrier_id(%barrier3A)
    %dma_start3A_46 = arith.constant 0 : i32
    %dma_start3A_47 = arith.constant 0 : i32
    %dma_start3A_48 = arith.constant 0 : i32
    %dma_start3A_49 = arith.constant 0 : i32
    %dma_start3A_50 = tpu.memref_slice %arg9[%dma_start3A_47, %dma_start3A_48, %dma_start3A_49] : memref<5x125x40xf32, #tpu.memory_space<vmem>> -> memref<1x125x40xf32, #tpu.memory_space<vmem>>
    %dma_start3A_51 = tpu.memref_squeeze %dma_start3A_50 : memref<1x125x40xf32, #tpu.memory_space<vmem>> -> memref<125x40xf32, #tpu.memory_space<vmem>>
    %dma_start3A_52 = arith.constant 0 : i32
    %dma_start3A_53 = tpu.memref_slice %arg7[%dma_start3A_46, %dma_start3A_52] : memref<80x125xi32, #tpu.memory_space<vmem>> -> memref<1x125xi32, #tpu.memory_space<vmem>>
    %dma_start3A_54 = tpu.memref_squeeze %dma_start3A_53 : memref<1x125xi32, #tpu.memory_space<vmem>> -> memref<125xi32, #tpu.memory_space<vmem>>
    %dma_start3A_55 = arith.constant 0 : i32
    %dma_start3A_56 = arith.constant 0 : i32
    %dma_start3A_57 = tpu.memref_slice %arg2[%dma_start3A_55, %dma_start3A_56] : memref<10000x40xf32, #tpu.memory_space<hbm>> -> memref<10000x40xf32, #tpu.memory_space<hbm>>
    tpu.enqueue_indirect_dma source(%dma_start3A_57 : memref<10000x40xf32, #tpu.memory_space<hbm>>) target(%dma_start3A_51 : memref<125x40xf32, #tpu.memory_space<vmem>>) offsets(%dma_start3A_54 : memref<125xi32, #tpu.memory_space<vmem>>) semaphore(%arg11 : memref<!tpu.dma_semaphore, #tpu.memory_space<semaphore_mem>>)
    %dma_start3A_58 = arith.constant 1 : i32
    %dma_start3A_59 = arith.constant 1 : i32
    %dma_start3A_60 = arith.constant 0 : i32
    %dma_start3A_61 = arith.constant 0 : i32
    %dma_start3A_62 = tpu.memref_slice %arg9[%dma_start3A_59, %dma_start3A_60, %dma_start3A_61] : memref<5x125x40xf32, #tpu.memory_space<vmem>> -> memref<1x125x40xf32, #tpu.memory_space<vmem>>
    %dma_start3A_63 = tpu.memref_squeeze %dma_start3A_62 : memref<1x125x40xf32, #tpu.memory_space<vmem>> -> memref<125x40xf32, #tpu.memory_space<vmem>>
    %dma_start3A_64 = arith.constant 0 : i32
    %dma_start3A_65 = tpu.memref_slice %arg7[%dma_start3A_58, %dma_start3A_64] : memref<80x125xi32, #tpu.memory_space<vmem>> -> memref<1x125xi32, #tpu.memory_space<vmem>>
    %dma_start3A_66 = tpu.memref_squeeze %dma_start3A_65 : memref<1x125xi32, #tpu.memory_space<vmem>> -> memref<125xi32, #tpu.memory_space<vmem>>
    %dma_start3A_67 = arith.constant 0 : i32
    %dma_start3A_68 = arith.constant 0 : i32
    %dma_start3A_69 = tpu.memref_slice %arg2[%dma_start3A_67, %dma_start3A_68] : memref<10000x40xf32, #tpu.memory_space<hbm>> -> memref<10000x40xf32, #tpu.memory_space<hbm>>
    tpu.enqueue_indirect_dma source(%dma_start3A_69 : memref<10000x40xf32, #tpu.memory_space<hbm>>) target(%dma_start3A_63 : memref<125x40xf32, #tpu.memory_space<vmem>>) offsets(%dma_start3A_66 : memref<125xi32, #tpu.memory_space<vmem>>) semaphore(%arg12 : memref<!tpu.dma_semaphore, #tpu.memory_space<semaphore_mem>>)
    %dma_start3A_70 = arith.constant 2 : i32
    %dma_start3A_71 = arith.constant 2 : i32
    %dma_start3A_72 = arith.constant 0 : i32
    %dma_start3A_73 = arith.constant 0 : i32
    %dma_start3A_74 = tpu.memref_slice %arg9[%dma_start3A_71, %dma_start3A_72, %dma_start3A_73] : memref<5x125x40xf32, #tpu.memory_space<vmem>> -> memref<1x125x40xf32, #tpu.memory_space<vmem>>
    %dma_start3A_75 = tpu.memref_squeeze %dma_start3A_74 : memref<1x125x40xf32, #tpu.memory_space<vmem>> -> memref<125x40xf32, #tpu.memory_space<vmem>>
    %dma_start3A_76 = arith.constant 0 : i32
    %dma_start3A_77 = tpu.memref_slice %arg7[%dma_start3A_70, %dma_start3A_76] : memref<80x125xi32, #tpu.memory_space<vmem>> -> memref<1x125xi32, #tpu.memory_space<vmem>>
    %dma_start3A_78 = tpu.memref_squeeze %dma_start3A_77 : memref<1x125xi32, #tpu.memory_space<vmem>> -> memref<125xi32, #tpu.memory_space<vmem>>
    %dma_start3A_79 = arith.constant 0 : i32
    %dma_start3A_80 = arith.constant 0 : i32
    %dma_start3A_81 = tpu.memref_slice %arg2[%dma_start3A_79, %dma_start3A_80] : memref<10000x40xf32, #tpu.memory_space<hbm>> -> memref<10000x40xf32, #tpu.memory_space<hbm>>
    tpu.enqueue_indirect_dma source(%dma_start3A_81 : memref<10000x40xf32, #tpu.memory_space<hbm>>) target(%dma_start3A_75 : memref<125x40xf32, #tpu.memory_space<vmem>>) offsets(%dma_start3A_78 : memref<125xi32, #tpu.memory_space<vmem>>) semaphore(%arg13 : memref<!tpu.dma_semaphore, #tpu.memory_space<semaphore_mem>>)
    %dma_start3A_82 = arith.constant 3 : i32
    %dma_start3A_83 = arith.constant 3 : i32
    %dma_start3A_84 = arith.constant 0 : i32
    %dma_start3A_85 = arith.constant 0 : i32
    %dma_start3A_86 = tpu.memref_slice %arg9[%dma_start3A_83, %dma_start3A_84, %dma_start3A_85] : memref<5x125x40xf32, #tpu.memory_space<vmem>> -> memref<1x125x40xf32, #tpu.memory_space<vmem>>
    %dma_start3A_87 = tpu.memref_squeeze %dma_start3A_86 : memref<1x125x40xf32, #tpu.memory_space<vmem>> -> memref<125x40xf32, #tpu.memory_space<vmem>>
    %dma_start3A_88 = arith.constant 0 : i32
    %dma_start3A_89 = tpu.memref_slice %arg7[%dma_start3A_82, %dma_start3A_88] : memref<80x125xi32, #tpu.memory_space<vmem>> -> memref<1x125xi32, #tpu.memory_space<vmem>>
    %dma_start3A_90 = tpu.memref_squeeze %dma_start3A_89 : memref<1x125xi32, #tpu.memory_space<vmem>> -> memref<125xi32, #tpu.memory_space<vmem>>
    %dma_start3A_91 = arith.constant 0 : i32
    %dma_start3A_92 = arith.constant 0 : i32
    %dma_start3A_93 = tpu.memref_slice %arg2[%dma_start3A_91, %dma_start3A_92] : memref<10000x40xf32, #tpu.memory_space<hbm>> -> memref<10000x40xf32, #tpu.memory_space<hbm>>
    tpu.enqueue_indirect_dma source(%dma_start3A_93 : memref<10000x40xf32, #tpu.memory_space<hbm>>) target(%dma_start3A_87 : memref<125x40xf32, #tpu.memory_space<vmem>>) offsets(%dma_start3A_90 : memref<125xi32, #tpu.memory_space<vmem>>) semaphore(%arg14 : memref<!tpu.dma_semaphore, #tpu.memory_space<semaphore_mem>>)
    %dma_start3A_94 = arith.constant 4 : i32
    %dma_start3A_95 = arith.constant 4 : i32
    %dma_start3A_96 = arith.constant 0 : i32
    %dma_start3A_97 = arith.constant 0 : i32
    %dma_start3A_98 = tpu.memref_slice %arg9[%dma_start3A_95, %dma_start3A_96, %dma_start3A_97] : memref<5x125x40xf32, #tpu.memory_space<vmem>> -> memref<1x125x40xf32, #tpu.memory_space<vmem>>
    %dma_start3A_99 = tpu.memref_squeeze %dma_start3A_98 : memref<1x125x40xf32, #tpu.memory_space<vmem>> -> memref<125x40xf32, #tpu.memory_space<vmem>>
    %dma_start3A_100 = arith.constant 0 : i32
    %dma_start3A_101 = tpu.memref_slice %arg7[%dma_start3A_94, %dma_start3A_100] : memref<80x125xi32, #tpu.memory_space<vmem>> -> memref<1x125xi32, #tpu.memory_space<vmem>>
    %dma_start3A_102 = tpu.memref_squeeze %dma_start3A_101 : memref<1x125xi32, #tpu.memory_space<vmem>> -> memref<125xi32, #tpu.memory_space<vmem>>
    %dma_start3A_103 = arith.constant 0 : i32
    %dma_start3A_104 = arith.constant 0 : i32
    %dma_start3A_105 = tpu.memref_slice %arg2[%dma_start3A_103, %dma_start3A_104] : memref<10000x40xf32, #tpu.memory_space<hbm>> -> memref<10000x40xf32, #tpu.memory_space<hbm>>
    tpu.enqueue_indirect_dma source(%dma_start3A_105 : memref<10000x40xf32, #tpu.memory_space<hbm>>) target(%dma_start3A_99 : memref<125x40xf32, #tpu.memory_space<vmem>>) offsets(%dma_start3A_102 : memref<125xi32, #tpu.memory_space<vmem>>) semaphore(%arg15 : memref<!tpu.dma_semaphore, #tpu.memory_space<semaphore_mem>>)
    %scan3A = arith.constant 0 : i32
    %scan3A_106 = arith.constant 0 : i32
    %scan3A_107 = arith.constant 16 : i32
    %scan3A_108 = arith.addi %scan3A_106, %scan3A_107 : i32
    %scan3A_109 = arith.constant 1 : i32
    scf.for %scan3A_115 = %scan3A_106 to %scan3A_108 step %scan3A_109  : i32 {
      %mul3A_116 = arith.constant 5 : i32
      %mul3A_117 = arith.muli %scan3A_115, %mul3A_116 : i32
      %add3A = arith.constant 0 : i32
      %add3A_118 = arith.addi %mul3A_117, %add3A : i32
      %dma_wait3A_119 = arith.constant 0 : i32
      %dma_wait3A_120 = arith.constant 0 : i32
      %dma_wait3A_121 = arith.constant 0 : i32
      %dma_wait3A_122 = tpu.memref_slice %arg9[%dma_wait3A_119, %dma_wait3A_120, %dma_wait3A_121] : memref<5x125x40xf32, #tpu.memory_space<vmem>> -> memref<1x125x40xf32, #tpu.memory_space<vmem>>
      %dma_wait3A_123 = tpu.memref_squeeze %dma_wait3A_122 : memref<1x125x40xf32, #tpu.memory_space<vmem>> -> memref<125x40xf32, #tpu.memory_space<vmem>>
      %dma_wait3A_124 = arith.constant 0 : i32
      %dma_wait3A_125 = tpu.memref_slice %arg7[%add3A_118, %dma_wait3A_124] : memref<80x125xi32, #tpu.memory_space<vmem>> -> memref<1x125xi32, #tpu.memory_space<vmem>>
      %dma_wait3A_126 = tpu.memref_squeeze %dma_wait3A_125 : memref<1x125xi32, #tpu.memory_space<vmem>> -> memref<125xi32, #tpu.memory_space<vmem>>
      %dma_wait3A_127 = arith.constant 0 : i32
      %dma_wait3A_128 = arith.constant 0 : i32
      %dma_wait3A_129 = tpu.memref_slice %arg2[%dma_wait3A_127, %dma_wait3A_128] : memref<10000x40xf32, #tpu.memory_space<hbm>> -> memref<10000x40xf32, #tpu.memory_space<hbm>>
      tpu.wait_indirect_dma semaphore(%arg11 : memref<!tpu.dma_semaphore, #tpu.memory_space<semaphore_mem>>) src(%dma_wait3A_129 : memref<10000x40xf32, #tpu.memory_space<hbm>>) dst(%dma_wait3A_123 : memref<125x40xf32, #tpu.memory_space<vmem>>)
      %add3A_130 = arith.constant 0 : i32
      %add3A_131 = arith.addi %mul3A_117, %add3A_130 : i32
      %dma_start3A_132 = arith.constant 0 : i32
      %dma_start3A_133 = arith.constant 0 : i32
      %dma_start3A_134 = arith.constant 0 : i32
      %dma_start3A_135 = tpu.memref_slice %arg9[%dma_start3A_132, %dma_start3A_133, %dma_start3A_134] : memref<5x125x40xf32, #tpu.memory_space<vmem>> -> memref<1x125x40xf32, #tpu.memory_space<vmem>>
      %dma_start3A_136 = tpu.memref_squeeze %dma_start3A_135 : memref<1x125x40xf32, #tpu.memory_space<vmem>> -> memref<125x40xf32, #tpu.memory_space<vmem>>
      %dma_start3A_137 = arith.constant 0 : i32
      %dma_start3A_138 = tpu.memref_slice %arg8[%add3A_131, %dma_start3A_137] : memref<80x125xi32, #tpu.memory_space<vmem>> -> memref<1x125xi32, #tpu.memory_space<vmem>>
      %dma_start3A_139 = tpu.memref_squeeze %dma_start3A_138 : memref<1x125xi32, #tpu.memory_space<vmem>> -> memref<125xi32, #tpu.memory_space<vmem>>
      %dma_start3A_140 = arith.constant 0 : i32
      %dma_start3A_141 = arith.constant 0 : i32
      %dma_start3A_142 = tpu.memref_slice %arg10[%dma_start3A_140, %dma_start3A_141] : memref<10240x40xf32, #tpu.memory_space<vmem_shared>> -> memref<10240x40xf32, #tpu.memory_space<vmem_shared>>
      tpu.enqueue_indirect_dma source(%dma_start3A_136 : memref<125x40xf32, #tpu.memory_space<vmem>>) target(%dma_start3A_142 : memref<10240x40xf32, #tpu.memory_space<vmem_shared>>) offsets(%dma_start3A_139 : memref<125xi32, #tpu.memory_space<vmem>>) semaphore(%arg16 : memref<!tpu.dma_semaphore, #tpu.memory_space<semaphore_mem>>) {add = true}
      %add3A_143 = arith.constant 1 : i32
      %add3A_144 = arith.addi %mul3A_117, %add3A_143 : i32
      %dma_wait3A_145 = arith.constant 1 : i32
      %dma_wait3A_146 = arith.constant 0 : i32
      %dma_wait3A_147 = arith.constant 0 : i32
      %dma_wait3A_148 = tpu.memref_slice %arg9[%dma_wait3A_145, %dma_wait3A_146, %dma_wait3A_147] : memref<5x125x40xf32, #tpu.memory_space<vmem>> -> memref<1x125x40xf32, #tpu.memory_space<vmem>>
      %dma_wait3A_149 = tpu.memref_squeeze %dma_wait3A_148 : memref<1x125x40xf32, #tpu.memory_space<vmem>> -> memref<125x40xf32, #tpu.memory_space<vmem>>
      %dma_wait3A_150 = arith.constant 0 : i32
      %dma_wait3A_151 = tpu.memref_slice %arg7[%add3A_144, %dma_wait3A_150] : memref<80x125xi32, #tpu.memory_space<vmem>> -> memref<1x125xi32, #tpu.memory_space<vmem>>
      %dma_wait3A_152 = tpu.memref_squeeze %dma_wait3A_151 : memref<1x125xi32, #tpu.memory_space<vmem>> -> memref<125xi32, #tpu.memory_space<vmem>>
      %dma_wait3A_153 = arith.constant 0 : i32
      %dma_wait3A_154 = arith.constant 0 : i32
      %dma_wait3A_155 = tpu.memref_slice %arg2[%dma_wait3A_153, %dma_wait3A_154] : memref<10000x40xf32, #tpu.memory_space<hbm>> -> memref<10000x40xf32, #tpu.memory_space<hbm>>
      tpu.wait_indirect_dma semaphore(%arg12 : memref<!tpu.dma_semaphore, #tpu.memory_space<semaphore_mem>>) src(%dma_wait3A_155 : memref<10000x40xf32, #tpu.memory_space<hbm>>) dst(%dma_wait3A_149 : memref<125x40xf32, #tpu.memory_space<vmem>>)
      %add3A_156 = arith.constant 1 : i32
      %add3A_157 = arith.addi %mul3A_117, %add3A_156 : i32
      %dma_start3A_158 = arith.constant 1 : i32
      %dma_start3A_159 = arith.constant 0 : i32
      %dma_start3A_160 = arith.constant 0 : i32
      %dma_start3A_161 = tpu.memref_slice %arg9[%dma_start3A_158, %dma_start3A_159, %dma_start3A_160] : memref<5x125x40xf32, #tpu.memory_space<vmem>> -> memref<1x125x40xf32, #tpu.memory_space<vmem>>
      %dma_start3A_162 = tpu.memref_squeeze %dma_start3A_161 : memref<1x125x40xf32, #tpu.memory_space<vmem>> -> memref<125x40xf32, #tpu.memory_space<vmem>>
      %dma_start3A_163 = arith.constant 0 : i32
      %dma_start3A_164 = tpu.memref_slice %arg8[%add3A_157, %dma_start3A_163] : memref<80x125xi32, #tpu.memory_space<vmem>> -> memref<1x125xi32, #tpu.memory_space<vmem>>
      %dma_start3A_165 = tpu.memref_squeeze %dma_start3A_164 : memref<1x125xi32, #tpu.memory_space<vmem>> -> memref<125xi32, #tpu.memory_space<vmem>>
      %dma_start3A_166 = arith.constant 0 : i32
      %dma_start3A_167 = arith.constant 0 : i32
      %dma_start3A_168 = tpu.memref_slice %arg10[%dma_start3A_166, %dma_start3A_167] : memref<10240x40xf32, #tpu.memory_space<vmem_shared>> -> memref<10240x40xf32, #tpu.memory_space<vmem_shared>>
      tpu.enqueue_indirect_dma source(%dma_start3A_162 : memref<125x40xf32, #tpu.memory_space<vmem>>) target(%dma_start3A_168 : memref<10240x40xf32, #tpu.memory_space<vmem_shared>>) offsets(%dma_start3A_165 : memref<125xi32, #tpu.memory_space<vmem>>) semaphore(%arg17 : memref<!tpu.dma_semaphore, #tpu.memory_space<semaphore_mem>>) {add = true}
      %add3A_169 = arith.constant 2 : i32
      %add3A_170 = arith.addi %mul3A_117, %add3A_169 : i32
      %dma_wait3A_171 = arith.constant 2 : i32
      %dma_wait3A_172 = arith.constant 0 : i32
      %dma_wait3A_173 = arith.constant 0 : i32
      %dma_wait3A_174 = tpu.memref_slice %arg9[%dma_wait3A_171, %dma_wait3A_172, %dma_wait3A_173] : memref<5x125x40xf32, #tpu.memory_space<vmem>> -> memref<1x125x40xf32, #tpu.memory_space<vmem>>
      %dma_wait3A_175 = tpu.memref_squeeze %dma_wait3A_174 : memref<1x125x40xf32, #tpu.memory_space<vmem>> -> memref<125x40xf32, #tpu.memory_space<vmem>>
      %dma_wait3A_176 = arith.constant 0 : i32
      %dma_wait3A_177 = tpu.memref_slice %arg7[%add3A_170, %dma_wait3A_176] : memref<80x125xi32, #tpu.memory_space<vmem>> -> memref<1x125xi32, #tpu.memory_space<vmem>>
      %dma_wait3A_178 = tpu.memref_squeeze %dma_wait3A_177 : memref<1x125xi32, #tpu.memory_space<vmem>> -> memref<125xi32, #tpu.memory_space<vmem>>
      %dma_wait3A_179 = arith.constant 0 : i32
      %dma_wait3A_180 = arith.constant 0 : i32
      %dma_wait3A_181 = tpu.memref_slice %arg2[%dma_wait3A_179, %dma_wait3A_180] : memref<10000x40xf32, #tpu.memory_space<hbm>> -> memref<10000x40xf32, #tpu.memory_space<hbm>>
      tpu.wait_indirect_dma semaphore(%arg13 : memref<!tpu.dma_semaphore, #tpu.memory_space<semaphore_mem>>) src(%dma_wait3A_181 : memref<10000x40xf32, #tpu.memory_space<hbm>>) dst(%dma_wait3A_175 : memref<125x40xf32, #tpu.memory_space<vmem>>)
      %add3A_182 = arith.constant 2 : i32
      %add3A_183 = arith.addi %mul3A_117, %add3A_182 : i32
      %dma_start3A_184 = arith.constant 2 : i32
      %dma_start3A_185 = arith.constant 0 : i32
      %dma_start3A_186 = arith.constant 0 : i32
      %dma_start3A_187 = tpu.memref_slice %arg9[%dma_start3A_184, %dma_start3A_185, %dma_start3A_186] : memref<5x125x40xf32, #tpu.memory_space<vmem>> -> memref<1x125x40xf32, #tpu.memory_space<vmem>>
      %dma_start3A_188 = tpu.memref_squeeze %dma_start3A_187 : memref<1x125x40xf32, #tpu.memory_space<vmem>> -> memref<125x40xf32, #tpu.memory_space<vmem>>
      %dma_start3A_189 = arith.constant 0 : i32
      %dma_start3A_190 = tpu.memref_slice %arg8[%add3A_183, %dma_start3A_189] : memref<80x125xi32, #tpu.memory_space<vmem>> -> memref<1x125xi32, #tpu.memory_space<vmem>>
      %dma_start3A_191 = tpu.memref_squeeze %dma_start3A_190 : memref<1x125xi32, #tpu.memory_space<vmem>> -> memref<125xi32, #tpu.memory_space<vmem>>
      %dma_start3A_192 = arith.constant 0 : i32
      %dma_start3A_193 = arith.constant 0 : i32
      %dma_start3A_194 = tpu.memref_slice %arg10[%dma_start3A_192, %dma_start3A_193] : memref<10240x40xf32, #tpu.memory_space<vmem_shared>> -> memref<10240x40xf32, #tpu.memory_space<vmem_shared>>
      tpu.enqueue_indirect_dma source(%dma_start3A_188 : memref<125x40xf32, #tpu.memory_space<vmem>>) target(%dma_start3A_194 : memref<10240x40xf32, #tpu.memory_space<vmem_shared>>) offsets(%dma_start3A_191 : memref<125xi32, #tpu.memory_space<vmem>>) semaphore(%arg18 : memref<!tpu.dma_semaphore, #tpu.memory_space<semaphore_mem>>) {add = true}
      %add3A_195 = arith.constant 3 : i32
      %add3A_196 = arith.addi %mul3A_117, %add3A_195 : i32
      %dma_wait3A_197 = arith.constant 3 : i32
      %dma_wait3A_198 = arith.constant 0 : i32
      %dma_wait3A_199 = arith.constant 0 : i32
      %dma_wait3A_200 = tpu.memref_slice %arg9[%dma_wait3A_197, %dma_wait3A_198, %dma_wait3A_199] : memref<5x125x40xf32, #tpu.memory_space<vmem>> -> memref<1x125x40xf32, #tpu.memory_space<vmem>>
      %dma_wait3A_201 = tpu.memref_squeeze %dma_wait3A_200 : memref<1x125x40xf32, #tpu.memory_space<vmem>> -> memref<125x40xf32, #tpu.memory_space<vmem>>
      %dma_wait3A_202 = arith.constant 0 : i32
      %dma_wait3A_203 = tpu.memref_slice %arg7[%add3A_196, %dma_wait3A_202] : memref<80x125xi32, #tpu.memory_space<vmem>> -> memref<1x125xi32, #tpu.memory_space<vmem>>
      %dma_wait3A_204 = tpu.memref_squeeze %dma_wait3A_203 : memref<1x125xi32, #tpu.memory_space<vmem>> -> memref<125xi32, #tpu.memory_space<vmem>>
      %dma_wait3A_205 = arith.constant 0 : i32
      %dma_wait3A_206 = arith.constant 0 : i32
      %dma_wait3A_207 = tpu.memref_slice %arg2[%dma_wait3A_205, %dma_wait3A_206] : memref<10000x40xf32, #tpu.memory_space<hbm>> -> memref<10000x40xf32, #tpu.memory_space<hbm>>
      tpu.wait_indirect_dma semaphore(%arg14 : memref<!tpu.dma_semaphore, #tpu.memory_space<semaphore_mem>>) src(%dma_wait3A_207 : memref<10000x40xf32, #tpu.memory_space<hbm>>) dst(%dma_wait3A_201 : memref<125x40xf32, #tpu.memory_space<vmem>>)
      %add3A_208 = arith.constant 3 : i32
      %add3A_209 = arith.addi %mul3A_117, %add3A_208 : i32
      %dma_start3A_210 = arith.constant 3 : i32
      %dma_start3A_211 = arith.constant 0 : i32
      %dma_start3A_212 = arith.constant 0 : i32
      %dma_start3A_213 = tpu.memref_slice %arg9[%dma_start3A_210, %dma_start3A_211, %dma_start3A_212] : memref<5x125x40xf32, #tpu.memory_space<vmem>> -> memref<1x125x40xf32, #tpu.memory_space<vmem>>
      %dma_start3A_214 = tpu.memref_squeeze %dma_start3A_213 : memref<1x125x40xf32, #tpu.memory_space<vmem>> -> memref<125x40xf32, #tpu.memory_space<vmem>>
      %dma_start3A_215 = arith.constant 0 : i32
      %dma_start3A_216 = tpu.memref_slice %arg8[%add3A_209, %dma_start3A_215] : memref<80x125xi32, #tpu.memory_space<vmem>> -> memref<1x125xi32, #tpu.memory_space<vmem>>
      %dma_start3A_217 = tpu.memref_squeeze %dma_start3A_216 : memref<1x125xi32, #tpu.memory_space<vmem>> -> memref<125xi32, #tpu.memory_space<vmem>>
      %dma_start3A_218 = arith.constant 0 : i32
      %dma_start3A_219 = arith.constant 0 : i32
      %dma_start3A_220 = tpu.memref_slice %arg10[%dma_start3A_218, %dma_start3A_219] : memref<10240x40xf32, #tpu.memory_space<vmem_shared>> -> memref<10240x40xf32, #tpu.memory_space<vmem_shared>>
      tpu.enqueue_indirect_dma source(%dma_start3A_214 : memref<125x40xf32, #tpu.memory_space<vmem>>) target(%dma_start3A_220 : memref<10240x40xf32, #tpu.memory_space<vmem_shared>>) offsets(%dma_start3A_217 : memref<125xi32, #tpu.memory_space<vmem>>) semaphore(%arg19 : memref<!tpu.dma_semaphore, #tpu.memory_space<semaphore_mem>>) {add = true}
      %add3A_221 = arith.constant 4 : i32
      %add3A_222 = arith.addi %mul3A_117, %add3A_221 : i32
      %dma_wait3A_223 = arith.constant 4 : i32
      %dma_wait3A_224 = arith.constant 0 : i32
      %dma_wait3A_225 = arith.constant 0 : i32
      %dma_wait3A_226 = tpu.memref_slice %arg9[%dma_wait3A_223, %dma_wait3A_224, %dma_wait3A_225] : memref<5x125x40xf32, #tpu.memory_space<vmem>> -> memref<1x125x40xf32, #tpu.memory_space<vmem>>
      %dma_wait3A_227 = tpu.memref_squeeze %dma_wait3A_226 : memref<1x125x40xf32, #tpu.memory_space<vmem>> -> memref<125x40xf32, #tpu.memory_space<vmem>>
      %dma_wait3A_228 = arith.constant 0 : i32
      %dma_wait3A_229 = tpu.memref_slice %arg7[%add3A_222, %dma_wait3A_228] : memref<80x125xi32, #tpu.memory_space<vmem>> -> memref<1x125xi32, #tpu.memory_space<vmem>>
      %dma_wait3A_230 = tpu.memref_squeeze %dma_wait3A_229 : memref<1x125xi32, #tpu.memory_space<vmem>> -> memref<125xi32, #tpu.memory_space<vmem>>
      %dma_wait3A_231 = arith.constant 0 : i32
      %dma_wait3A_232 = arith.constant 0 : i32
      %dma_wait3A_233 = tpu.memref_slice %arg2[%dma_wait3A_231, %dma_wait3A_232] : memref<10000x40xf32, #tpu.memory_space<hbm>> -> memref<10000x40xf32, #tpu.memory_space<hbm>>
      tpu.wait_indirect_dma semaphore(%arg15 : memref<!tpu.dma_semaphore, #tpu.memory_space<semaphore_mem>>) src(%dma_wait3A_233 : memref<10000x40xf32, #tpu.memory_space<hbm>>) dst(%dma_wait3A_227 : memref<125x40xf32, #tpu.memory_space<vmem>>)
      %add3A_234 = arith.constant 4 : i32
      %add3A_235 = arith.addi %mul3A_117, %add3A_234 : i32
      %dma_start3A_236 = arith.constant 4 : i32
      %dma_start3A_237 = arith.constant 0 : i32
      %dma_start3A_238 = arith.constant 0 : i32
      %dma_start3A_239 = tpu.memref_slice %arg9[%dma_start3A_236, %dma_start3A_237, %dma_start3A_238] : memref<5x125x40xf32, #tpu.memory_space<vmem>> -> memref<1x125x40xf32, #tpu.memory_space<vmem>>
      %dma_start3A_240 = tpu.memref_squeeze %dma_start3A_239 : memref<1x125x40xf32, #tpu.memory_space<vmem>> -> memref<125x40xf32, #tpu.memory_space<vmem>>
      %dma_start3A_241 = arith.constant 0 : i32
      %dma_start3A_242 = tpu.memref_slice %arg8[%add3A_235, %dma_start3A_241] : memref<80x125xi32, #tpu.memory_space<vmem>> -> memref<1x125xi32, #tpu.memory_space<vmem>>
      %dma_start3A_243 = tpu.memref_squeeze %dma_start3A_242 : memref<1x125xi32, #tpu.memory_space<vmem>> -> memref<125xi32, #tpu.memory_space<vmem>>
      %dma_start3A_244 = arith.constant 0 : i32
      %dma_start3A_245 = arith.constant 0 : i32
      %dma_start3A_246 = tpu.memref_slice %arg10[%dma_start3A_244, %dma_start3A_245] : memref<10240x40xf32, #tpu.memory_space<vmem_shared>> -> memref<10240x40xf32, #tpu.memory_space<vmem_shared>>
      tpu.enqueue_indirect_dma source(%dma_start3A_240 : memref<125x40xf32, #tpu.memory_space<vmem>>) target(%dma_start3A_246 : memref<10240x40xf32, #tpu.memory_space<vmem_shared>>) offsets(%dma_start3A_243 : memref<125xi32, #tpu.memory_space<vmem>>) semaphore(%arg20 : memref<!tpu.dma_semaphore, #tpu.memory_space<semaphore_mem>>) {add = true}
      %add3A_247 = arith.constant 0 : i32
      %add3A_248 = arith.addi %mul3A_117, %add3A_247 : i32
      %dma_wait3A_249 = arith.constant 0 : i32
      %dma_wait3A_250 = arith.constant 0 : i32
      %dma_wait3A_251 = arith.constant 0 : i32
      %dma_wait3A_252 = tpu.memref_slice %arg9[%dma_wait3A_249, %dma_wait3A_250, %dma_wait3A_251] : memref<5x125x40xf32, #tpu.memory_space<vmem>> -> memref<1x125x40xf32, #tpu.memory_space<vmem>>
      %dma_wait3A_253 = tpu.memref_squeeze %dma_wait3A_252 : memref<1x125x40xf32, #tpu.memory_space<vmem>> -> memref<125x40xf32, #tpu.memory_space<vmem>>
      %dma_wait3A_254 = arith.constant 0 : i32
      %dma_wait3A_255 = tpu.memref_slice %arg8[%add3A_248, %dma_wait3A_254] : memref<80x125xi32, #tpu.memory_space<vmem>> -> memref<1x125xi32, #tpu.memory_space<vmem>>
      %dma_wait3A_256 = tpu.memref_squeeze %dma_wait3A_255 : memref<1x125xi32, #tpu.memory_space<vmem>> -> memref<125xi32, #tpu.memory_space<vmem>>
      %dma_wait3A_257 = arith.constant 0 : i32
      %dma_wait3A_258 = arith.constant 0 : i32
      %dma_wait3A_259 = tpu.memref_slice %arg10[%dma_wait3A_257, %dma_wait3A_258] : memref<10240x40xf32, #tpu.memory_space<vmem_shared>> -> memref<10240x40xf32, #tpu.memory_space<vmem_shared>>
      tpu.wait_indirect_dma semaphore(%arg16 : memref<!tpu.dma_semaphore, #tpu.memory_space<semaphore_mem>>) src(%dma_wait3A_253 : memref<125x40xf32, #tpu.memory_space<vmem>>) dst(%dma_wait3A_259 : memref<10240x40xf32, #tpu.memory_space<vmem_shared>>)
      %add3A_260 = arith.constant 0 : i32
      %add3A_261 = arith.addi %mul3A_117, %add3A_260 : i32
      %add3A_262 = arith.constant 5 : i32
      %add3A_263 = arith.addi %add3A_261, %add3A_262 : i32
      %lt3A_264 = arith.constant 80 : i32
      %lt3A_265 = arith.cmpi slt, %add3A_263, %lt3A_264 : i32
      %convert_element_type3A_266 = arith.extui %lt3A_265 : i1 to i32
      %cond3A_267 = arith.constant 0 : i32
      %cond3A_268 = arith.cmpi ne, %convert_element_type3A_266, %cond3A_267 : i32
      scf.if %cond3A_268 {
        %add3A_357 = arith.constant 0 : i32
        %add3A_358 = arith.addi %mul3A_117, %add3A_357 : i32
        %add3A_359 = arith.constant 5 : i32
        %add3A_360 = arith.addi %add3A_358, %add3A_359 : i32
        %dma_start3A_361 = arith.constant 0 : i32
        %dma_start3A_362 = arith.constant 0 : i32
        %dma_start3A_363 = arith.constant 0 : i32
        %dma_start3A_364 = tpu.memref_slice %arg9[%dma_start3A_361, %dma_start3A_362, %dma_start3A_363] : memref<5x125x40xf32, #tpu.memory_space<vmem>> -> memref<1x125x40xf32, #tpu.memory_space<vmem>>
        %dma_start3A_365 = tpu.memref_squeeze %dma_start3A_364 : memref<1x125x40xf32, #tpu.memory_space<vmem>> -> memref<125x40xf32, #tpu.memory_space<vmem>>
        %dma_start3A_366 = arith.constant 0 : i32
        %dma_start3A_367 = tpu.memref_slice %arg7[%add3A_360, %dma_start3A_366] : memref<80x125xi32, #tpu.memory_space<vmem>> -> memref<1x125xi32, #tpu.memory_space<vmem>>
        %dma_start3A_368 = tpu.memref_squeeze %dma_start3A_367 : memref<1x125xi32, #tpu.memory_space<vmem>> -> memref<125xi32, #tpu.memory_space<vmem>>
        %dma_start3A_369 = arith.constant 0 : i32
        %dma_start3A_370 = arith.constant 0 : i32
        %dma_start3A_371 = tpu.memref_slice %arg2[%dma_start3A_369, %dma_start3A_370] : memref<10000x40xf32, #tpu.memory_space<hbm>> -> memref<10000x40xf32, #tpu.memory_space<hbm>>
        tpu.enqueue_indirect_dma source(%dma_start3A_371 : memref<10000x40xf32, #tpu.memory_space<hbm>>) target(%dma_start3A_365 : memref<125x40xf32, #tpu.memory_space<vmem>>) offsets(%dma_start3A_368 : memref<125xi32, #tpu.memory_space<vmem>>) semaphore(%arg11 : memref<!tpu.dma_semaphore, #tpu.memory_space<semaphore_mem>>)
      } else {
      }
      %add3A_269 = arith.constant 1 : i32
      %add3A_270 = arith.addi %mul3A_117, %add3A_269 : i32
      %dma_wait3A_271 = arith.constant 1 : i32
      %dma_wait3A_272 = arith.constant 0 : i32
      %dma_wait3A_273 = arith.constant 0 : i32
      %dma_wait3A_274 = tpu.memref_slice %arg9[%dma_wait3A_271, %dma_wait3A_272, %dma_wait3A_273] : memref<5x125x40xf32, #tpu.memory_space<vmem>> -> memref<1x125x40xf32, #tpu.memory_space<vmem>>
      %dma_wait3A_275 = tpu.memref_squeeze %dma_wait3A_274 : memref<1x125x40xf32, #tpu.memory_space<vmem>> -> memref<125x40xf32, #tpu.memory_space<vmem>>
      %dma_wait3A_276 = arith.constant 0 : i32
      %dma_wait3A_277 = tpu.memref_slice %arg8[%add3A_270, %dma_wait3A_276] : memref<80x125xi32, #tpu.memory_space<vmem>> -> memref<1x125xi32, #tpu.memory_space<vmem>>
      %dma_wait3A_278 = tpu.memref_squeeze %dma_wait3A_277 : memref<1x125xi32, #tpu.memory_space<vmem>> -> memref<125xi32, #tpu.memory_space<vmem>>
      %dma_wait3A_279 = arith.constant 0 : i32
      %dma_wait3A_280 = arith.constant 0 : i32
      %dma_wait3A_281 = tpu.memref_slice %arg10[%dma_wait3A_279, %dma_wait3A_280] : memref<10240x40xf32, #tpu.memory_space<vmem_shared>> -> memref<10240x40xf32, #tpu.memory_space<vmem_shared>>
      tpu.wait_indirect_dma semaphore(%arg17 : memref<!tpu.dma_semaphore, #tpu.memory_space<semaphore_mem>>) src(%dma_wait3A_275 : memref<125x40xf32, #tpu.memory_space<vmem>>) dst(%dma_wait3A_281 : memref<10240x40xf32, #tpu.memory_space<vmem_shared>>)
      %add3A_282 = arith.constant 1 : i32
      %add3A_283 = arith.addi %mul3A_117, %add3A_282 : i32
      %add3A_284 = arith.constant 5 : i32
      %add3A_285 = arith.addi %add3A_283, %add3A_284 : i32
      %lt3A_286 = arith.constant 80 : i32
      %lt3A_287 = arith.cmpi slt, %add3A_285, %lt3A_286 : i32
      %convert_element_type3A_288 = arith.extui %lt3A_287 : i1 to i32
      %cond3A_289 = arith.constant 0 : i32
      %cond3A_290 = arith.cmpi ne, %convert_element_type3A_288, %cond3A_289 : i32
      scf.if %cond3A_290 {
        %add3A_357 = arith.constant 1 : i32
        %add3A_358 = arith.addi %mul3A_117, %add3A_357 : i32
        %add3A_359 = arith.constant 5 : i32
        %add3A_360 = arith.addi %add3A_358, %add3A_359 : i32
        %dma_start3A_361 = arith.constant 1 : i32
        %dma_start3A_362 = arith.constant 0 : i32
        %dma_start3A_363 = arith.constant 0 : i32
        %dma_start3A_364 = tpu.memref_slice %arg9[%dma_start3A_361, %dma_start3A_362, %dma_start3A_363] : memref<5x125x40xf32, #tpu.memory_space<vmem>> -> memref<1x125x40xf32, #tpu.memory_space<vmem>>
        %dma_start3A_365 = tpu.memref_squeeze %dma_start3A_364 : memref<1x125x40xf32, #tpu.memory_space<vmem>> -> memref<125x40xf32, #tpu.memory_space<vmem>>
        %dma_start3A_366 = arith.constant 0 : i32
        %dma_start3A_367 = tpu.memref_slice %arg7[%add3A_360, %dma_start3A_366] : memref<80x125xi32, #tpu.memory_space<vmem>> -> memref<1x125xi32, #tpu.memory_space<vmem>>
        %dma_start3A_368 = tpu.memref_squeeze %dma_start3A_367 : memref<1x125xi32, #tpu.memory_space<vmem>> -> memref<125xi32, #tpu.memory_space<vmem>>
        %dma_start3A_369 = arith.constant 0 : i32
        %dma_start3A_370 = arith.constant 0 : i32
        %dma_start3A_371 = tpu.memref_slice %arg2[%dma_start3A_369, %dma_start3A_370] : memref<10000x40xf32, #tpu.memory_space<hbm>> -> memref<10000x40xf32, #tpu.memory_space<hbm>>
        tpu.enqueue_indirect_dma source(%dma_start3A_371 : memref<10000x40xf32, #tpu.memory_space<hbm>>) target(%dma_start3A_365 : memref<125x40xf32, #tpu.memory_space<vmem>>) offsets(%dma_start3A_368 : memref<125xi32, #tpu.memory_space<vmem>>) semaphore(%arg12 : memref<!tpu.dma_semaphore, #tpu.memory_space<semaphore_mem>>)
      } else {
      }
      %add3A_291 = arith.constant 2 : i32
      %add3A_292 = arith.addi %mul3A_117, %add3A_291 : i32
      %dma_wait3A_293 = arith.constant 2 : i32
      %dma_wait3A_294 = arith.constant 0 : i32
      %dma_wait3A_295 = arith.constant 0 : i32
      %dma_wait3A_296 = tpu.memref_slice %arg9[%dma_wait3A_293, %dma_wait3A_294, %dma_wait3A_295] : memref<5x125x40xf32, #tpu.memory_space<vmem>> -> memref<1x125x40xf32, #tpu.memory_space<vmem>>
      %dma_wait3A_297 = tpu.memref_squeeze %dma_wait3A_296 : memref<1x125x40xf32, #tpu.memory_space<vmem>> -> memref<125x40xf32, #tpu.memory_space<vmem>>
      %dma_wait3A_298 = arith.constant 0 : i32
      %dma_wait3A_299 = tpu.memref_slice %arg8[%add3A_292, %dma_wait3A_298] : memref<80x125xi32, #tpu.memory_space<vmem>> -> memref<1x125xi32, #tpu.memory_space<vmem>>
      %dma_wait3A_300 = tpu.memref_squeeze %dma_wait3A_299 : memref<1x125xi32, #tpu.memory_space<vmem>> -> memref<125xi32, #tpu.memory_space<vmem>>
      %dma_wait3A_301 = arith.constant 0 : i32
      %dma_wait3A_302 = arith.constant 0 : i32
      %dma_wait3A_303 = tpu.memref_slice %arg10[%dma_wait3A_301, %dma_wait3A_302] : memref<10240x40xf32, #tpu.memory_space<vmem_shared>> -> memref<10240x40xf32, #tpu.memory_space<vmem_shared>>
      tpu.wait_indirect_dma semaphore(%arg18 : memref<!tpu.dma_semaphore, #tpu.memory_space<semaphore_mem>>) src(%dma_wait3A_297 : memref<125x40xf32, #tpu.memory_space<vmem>>) dst(%dma_wait3A_303 : memref<10240x40xf32, #tpu.memory_space<vmem_shared>>)
      %add3A_304 = arith.constant 2 : i32
      %add3A_305 = arith.addi %mul3A_117, %add3A_304 : i32
      %add3A_306 = arith.constant 5 : i32
      %add3A_307 = arith.addi %add3A_305, %add3A_306 : i32
      %lt3A_308 = arith.constant 80 : i32
      %lt3A_309 = arith.cmpi slt, %add3A_307, %lt3A_308 : i32
      %convert_element_type3A_310 = arith.extui %lt3A_309 : i1 to i32
      %cond3A_311 = arith.constant 0 : i32
      %cond3A_312 = arith.cmpi ne, %convert_element_type3A_310, %cond3A_311 : i32
      scf.if %cond3A_312 {
        %add3A_357 = arith.constant 2 : i32
        %add3A_358 = arith.addi %mul3A_117, %add3A_357 : i32
        %add3A_359 = arith.constant 5 : i32
        %add3A_360 = arith.addi %add3A_358, %add3A_359 : i32
        %dma_start3A_361 = arith.constant 2 : i32
        %dma_start3A_362 = arith.constant 0 : i32
        %dma_start3A_363 = arith.constant 0 : i32
        %dma_start3A_364 = tpu.memref_slice %arg9[%dma_start3A_361, %dma_start3A_362, %dma_start3A_363] : memref<5x125x40xf32, #tpu.memory_space<vmem>> -> memref<1x125x40xf32, #tpu.memory_space<vmem>>
        %dma_start3A_365 = tpu.memref_squeeze %dma_start3A_364 : memref<1x125x40xf32, #tpu.memory_space<vmem>> -> memref<125x40xf32, #tpu.memory_space<vmem>>
        %dma_start3A_366 = arith.constant 0 : i32
        %dma_start3A_367 = tpu.memref_slice %arg7[%add3A_360, %dma_start3A_366] : memref<80x125xi32, #tpu.memory_space<vmem>> -> memref<1x125xi32, #tpu.memory_space<vmem>>
        %dma_start3A_368 = tpu.memref_squeeze %dma_start3A_367 : memref<1x125xi32, #tpu.memory_space<vmem>> -> memref<125xi32, #tpu.memory_space<vmem>>
        %dma_start3A_369 = arith.constant 0 : i32
        %dma_start3A_370 = arith.constant 0 : i32
        %dma_start3A_371 = tpu.memref_slice %arg2[%dma_start3A_369, %dma_start3A_370] : memref<10000x40xf32, #tpu.memory_space<hbm>> -> memref<10000x40xf32, #tpu.memory_space<hbm>>
        tpu.enqueue_indirect_dma source(%dma_start3A_371 : memref<10000x40xf32, #tpu.memory_space<hbm>>) target(%dma_start3A_365 : memref<125x40xf32, #tpu.memory_space<vmem>>) offsets(%dma_start3A_368 : memref<125xi32, #tpu.memory_space<vmem>>) semaphore(%arg13 : memref<!tpu.dma_semaphore, #tpu.memory_space<semaphore_mem>>)
      } else {
      }
      %add3A_313 = arith.constant 3 : i32
      %add3A_314 = arith.addi %mul3A_117, %add3A_313 : i32
      %dma_wait3A_315 = arith.constant 3 : i32
      %dma_wait3A_316 = arith.constant 0 : i32
      %dma_wait3A_317 = arith.constant 0 : i32
      %dma_wait3A_318 = tpu.memref_slice %arg9[%dma_wait3A_315, %dma_wait3A_316, %dma_wait3A_317] : memref<5x125x40xf32, #tpu.memory_space<vmem>> -> memref<1x125x40xf32, #tpu.memory_space<vmem>>
      %dma_wait3A_319 = tpu.memref_squeeze %dma_wait3A_318 : memref<1x125x40xf32, #tpu.memory_space<vmem>> -> memref<125x40xf32, #tpu.memory_space<vmem>>
      %dma_wait3A_320 = arith.constant 0 : i32
      %dma_wait3A_321 = tpu.memref_slice %arg8[%add3A_314, %dma_wait3A_320] : memref<80x125xi32, #tpu.memory_space<vmem>> -> memref<1x125xi32, #tpu.memory_space<vmem>>
      %dma_wait3A_322 = tpu.memref_squeeze %dma_wait3A_321 : memref<1x125xi32, #tpu.memory_space<vmem>> -> memref<125xi32, #tpu.memory_space<vmem>>
      %dma_wait3A_323 = arith.constant 0 : i32
      %dma_wait3A_324 = arith.constant 0 : i32
      %dma_wait3A_325 = tpu.memref_slice %arg10[%dma_wait3A_323, %dma_wait3A_324] : memref<10240x40xf32, #tpu.memory_space<vmem_shared>> -> memref<10240x40xf32, #tpu.memory_space<vmem_shared>>
      tpu.wait_indirect_dma semaphore(%arg19 : memref<!tpu.dma_semaphore, #tpu.memory_space<semaphore_mem>>) src(%dma_wait3A_319 : memref<125x40xf32, #tpu.memory_space<vmem>>) dst(%dma_wait3A_325 : memref<10240x40xf32, #tpu.memory_space<vmem_shared>>)
      %add3A_326 = arith.constant 3 : i32
      %add3A_327 = arith.addi %mul3A_117, %add3A_326 : i32
      %add3A_328 = arith.constant 5 : i32
      %add3A_329 = arith.addi %add3A_327, %add3A_328 : i32
      %lt3A_330 = arith.constant 80 : i32
      %lt3A_331 = arith.cmpi slt, %add3A_329, %lt3A_330 : i32
      %convert_element_type3A_332 = arith.extui %lt3A_331 : i1 to i32
      %cond3A_333 = arith.constant 0 : i32
      %cond3A_334 = arith.cmpi ne, %convert_element_type3A_332, %cond3A_333 : i32
      scf.if %cond3A_334 {
        %add3A_357 = arith.constant 3 : i32
        %add3A_358 = arith.addi %mul3A_117, %add3A_357 : i32
        %add3A_359 = arith.constant 5 : i32
        %add3A_360 = arith.addi %add3A_358, %add3A_359 : i32
        %dma_start3A_361 = arith.constant 3 : i32
        %dma_start3A_362 = arith.constant 0 : i32
        %dma_start3A_363 = arith.constant 0 : i32
        %dma_start3A_364 = tpu.memref_slice %arg9[%dma_start3A_361, %dma_start3A_362, %dma_start3A_363] : memref<5x125x40xf32, #tpu.memory_space<vmem>> -> memref<1x125x40xf32, #tpu.memory_space<vmem>>
        %dma_start3A_365 = tpu.memref_squeeze %dma_start3A_364 : memref<1x125x40xf32, #tpu.memory_space<vmem>> -> memref<125x40xf32, #tpu.memory_space<vmem>>
        %dma_start3A_366 = arith.constant 0 : i32
        %dma_start3A_367 = tpu.memref_slice %arg7[%add3A_360, %dma_start3A_366] : memref<80x125xi32, #tpu.memory_space<vmem>> -> memref<1x125xi32, #tpu.memory_space<vmem>>
        %dma_start3A_368 = tpu.memref_squeeze %dma_start3A_367 : memref<1x125xi32, #tpu.memory_space<vmem>> -> memref<125xi32, #tpu.memory_space<vmem>>
        %dma_start3A_369 = arith.constant 0 : i32
        %dma_start3A_370 = arith.constant 0 : i32
        %dma_start3A_371 = tpu.memref_slice %arg2[%dma_start3A_369, %dma_start3A_370] : memref<10000x40xf32, #tpu.memory_space<hbm>> -> memref<10000x40xf32, #tpu.memory_space<hbm>>
        tpu.enqueue_indirect_dma source(%dma_start3A_371 : memref<10000x40xf32, #tpu.memory_space<hbm>>) target(%dma_start3A_365 : memref<125x40xf32, #tpu.memory_space<vmem>>) offsets(%dma_start3A_368 : memref<125xi32, #tpu.memory_space<vmem>>) semaphore(%arg14 : memref<!tpu.dma_semaphore, #tpu.memory_space<semaphore_mem>>)
      } else {
      }
      %add3A_335 = arith.constant 4 : i32
      %add3A_336 = arith.addi %mul3A_117, %add3A_335 : i32
      %dma_wait3A_337 = arith.constant 4 : i32
      %dma_wait3A_338 = arith.constant 0 : i32
      %dma_wait3A_339 = arith.constant 0 : i32
      %dma_wait3A_340 = tpu.memref_slice %arg9[%dma_wait3A_337, %dma_wait3A_338, %dma_wait3A_339] : memref<5x125x40xf32, #tpu.memory_space<vmem>> -> memref<1x125x40xf32, #tpu.memory_space<vmem>>
      %dma_wait3A_341 = tpu.memref_squeeze %dma_wait3A_340 : memref<1x125x40xf32, #tpu.memory_space<vmem>> -> memref<125x40xf32, #tpu.memory_space<vmem>>
      %dma_wait3A_342 = arith.constant 0 : i32
      %dma_wait3A_343 = tpu.memref_slice %arg8[%add3A_336, %dma_wait3A_342] : memref<80x125xi32, #tpu.memory_space<vmem>> -> memref<1x125xi32, #tpu.memory_space<vmem>>
      %dma_wait3A_344 = tpu.memref_squeeze %dma_wait3A_343 : memref<1x125xi32, #tpu.memory_space<vmem>> -> memref<125xi32, #tpu.memory_space<vmem>>
      %dma_wait3A_345 = arith.constant 0 : i32
      %dma_wait3A_346 = arith.constant 0 : i32
      %dma_wait3A_347 = tpu.memref_slice %arg10[%dma_wait3A_345, %dma_wait3A_346] : memref<10240x40xf32, #tpu.memory_space<vmem_shared>> -> memref<10240x40xf32, #tpu.memory_space<vmem_shared>>
      tpu.wait_indirect_dma semaphore(%arg20 : memref<!tpu.dma_semaphore, #tpu.memory_space<semaphore_mem>>) src(%dma_wait3A_341 : memref<125x40xf32, #tpu.memory_space<vmem>>) dst(%dma_wait3A_347 : memref<10240x40xf32, #tpu.memory_space<vmem_shared>>)
      %add3A_348 = arith.constant 4 : i32
      %add3A_349 = arith.addi %mul3A_117, %add3A_348 : i32
      %add3A_350 = arith.constant 5 : i32
      %add3A_351 = arith.addi %add3A_349, %add3A_350 : i32
      %lt3A_352 = arith.constant 80 : i32
      %lt3A_353 = arith.cmpi slt, %add3A_351, %lt3A_352 : i32
      %convert_element_type3A_354 = arith.extui %lt3A_353 : i1 to i32
      %cond3A_355 = arith.constant 0 : i32
      %cond3A_356 = arith.cmpi ne, %convert_element_type3A_354, %cond3A_355 : i32
      scf.if %cond3A_356 {
        %add3A_357 = arith.constant 4 : i32
        %add3A_358 = arith.addi %mul3A_117, %add3A_357 : i32
        %add3A_359 = arith.constant 5 : i32
        %add3A_360 = arith.addi %add3A_358, %add3A_359 : i32
        %dma_start3A_361 = arith.constant 4 : i32
        %dma_start3A_362 = arith.constant 0 : i32
        %dma_start3A_363 = arith.constant 0 : i32
        %dma_start3A_364 = tpu.memref_slice %arg9[%dma_start3A_361, %dma_start3A_362, %dma_start3A_363] : memref<5x125x40xf32, #tpu.memory_space<vmem>> -> memref<1x125x40xf32, #tpu.memory_space<vmem>>
        %dma_start3A_365 = tpu.memref_squeeze %dma_start3A_364 : memref<1x125x40xf32, #tpu.memory_space<vmem>> -> memref<125x40xf32, #tpu.memory_space<vmem>>
        %dma_start3A_366 = arith.constant 0 : i32
        %dma_start3A_367 = tpu.memref_slice %arg7[%add3A_360, %dma_start3A_366] : memref<80x125xi32, #tpu.memory_space<vmem>> -> memref<1x125xi32, #tpu.memory_space<vmem>>
        %dma_start3A_368 = tpu.memref_squeeze %dma_start3A_367 : memref<1x125xi32, #tpu.memory_space<vmem>> -> memref<125xi32, #tpu.memory_space<vmem>>
        %dma_start3A_369 = arith.constant 0 : i32
        %dma_start3A_370 = arith.constant 0 : i32
        %dma_start3A_371 = tpu.memref_slice %arg2[%dma_start3A_369, %dma_start3A_370] : memref<10000x40xf32, #tpu.memory_space<hbm>> -> memref<10000x40xf32, #tpu.memory_space<hbm>>
        tpu.enqueue_indirect_dma source(%dma_start3A_371 : memref<10000x40xf32, #tpu.memory_space<hbm>>) target(%dma_start3A_365 : memref<125x40xf32, #tpu.memory_space<vmem>>) offsets(%dma_start3A_368 : memref<125xi32, #tpu.memory_space<vmem>>) semaphore(%arg15 : memref<!tpu.dma_semaphore, #tpu.memory_space<semaphore_mem>>)
      } else {
      }
    }
    %scan3A_110 = arith.constant 16 : i32
    %barrier3A_111 = arith.constant 0 : index
    tpu.barrier barrier_id(%barrier3A_111)
    %mul3A = arith.constant 640 : i32
    %mul3A_112 = arith.muli %arg1, %mul3A : i32
    %mul3A_113 = arith.constant 640 : i32
    %mul3A_114 = arith.muli %arg1, %mul3A_113 : i32
    "tpu.region"() ({
      %run_scoped3A = tpu.sem_alloc : memref<!tpu.dma_semaphore, #tpu.memory_space<semaphore_mem>>
      %dma_start3A_115 = arith.constant 0 : i32
      %dma_start3A_116 = tpu.memref_slice %arg6[%arg0, %mul3A_114, %dma_start3A_115] : memref<2x10240x40xf32, #tpu.memory_space<hbm>> -> memref<1x640x40xf32, #tpu.memory_space<hbm>>
      %dma_start3A_117 = tpu.memref_squeeze %dma_start3A_116 : memref<1x640x40xf32, #tpu.memory_space<hbm>> -> memref<640x40xf32, #tpu.memory_space<hbm>>
      %dma_start3A_118 = arith.constant 0 : i32
      %dma_start3A_119 = tpu.memref_slice %arg10[%mul3A_112, %dma_start3A_118] : memref<10240x40xf32, #tpu.memory_space<vmem_shared>> -> memref<640x40xf32, #tpu.memory_space<vmem_shared>>
      tpu.enqueue_dma source(%dma_start3A_119 : memref<640x40xf32, #tpu.memory_space<vmem_shared>>) target(%dma_start3A_117 : memref<640x40xf32, #tpu.memory_space<hbm>>) target_semaphore(%run_scoped3A : memref<!tpu.dma_semaphore, #tpu.memory_space<semaphore_mem>>)
      %dma_wait3A_120 = arith.constant 0 : i32
      %dma_wait3A_121 = tpu.memref_slice %arg6[%arg0, %mul3A_114, %dma_wait3A_120] : memref<2x10240x40xf32, #tpu.memory_space<hbm>> -> memref<1x640x40xf32, #tpu.memory_space<hbm>>
      %dma_wait3A_122 = tpu.memref_squeeze %dma_wait3A_121 : memref<1x640x40xf32, #tpu.memory_space<hbm>> -> memref<640x40xf32, #tpu.memory_space<hbm>>
      %dma_wait3A_123 = arith.constant 0 : i32
      %dma_wait3A_124 = tpu.memref_slice %arg10[%mul3A_112, %dma_wait3A_123] : memref<10240x40xf32, #tpu.memory_space<vmem_shared>> -> memref<640x40xf32, #tpu.memory_space<vmem_shared>>
      tpu.wait_dma2 semaphore(%run_scoped3A : memref<!tpu.dma_semaphore, #tpu.memory_space<semaphore_mem>>) src(%dma_wait3A_124 : memref<640x40xf32, #tpu.memory_space<vmem_shared>>) dst(%dma_wait3A_122 : memref<640x40xf32, #tpu.memory_space<hbm>>)
      tpu.yield
    }) : () -> ()
    return
  }
}

module attributes {stable_mosaic.version = 14 : i64} {
  func.func @dinv_kernel(%arg0: memref<32x10000xf32, #tpu.memory_space<vmem>>, %arg1: memref<10000x1xf32, #tpu.memory_space<vmem>>) attributes {dimension_semantics = [], scalar_prefetch = 0 : i64, scratch_operands = 0 : i64, tpu.core_type = #tpu.core_type<tc>} {
    %get3A = arith.constant 0 : index
    %get3A_0 = arith.constant 0 : index
    %get3A_1 = vector.load %arg0[%get3A, %get3A_0] : memref<32x10000xf32, #tpu.memory_space<vmem>>, vector<32x10000xf32>
    %reduce_sum3A = arith.constant dense<0.000000e+00> : vector<10000xf32>
    %reduce_sum3A_2 = vector.multi_reduction <add>, %get3A_1, %reduce_sum3A [0] : vector<32x10000xf32> to vector<10000xf32>
    %add3A = arith.constant 1.000000e+00 : f32
    %add3A_3 = vector.broadcast %add3A : f32 to vector<10000xf32>
    %add3A_4 = arith.addf %reduce_sum3A_2, %add3A_3 : vector<10000xf32>
    %rsqrt3A = math.rsqrt %add3A_4 : vector<10000xf32>
    %broadcast_in_dim3A = vector.shape_cast %rsqrt3A : vector<10000xf32> to vector<10000x1xf32>
    %swap3A = arith.constant 0 : index
    %swap3A_5 = arith.constant 0 : index
    %swap3A_6 = vector.load %arg1[%swap3A, %swap3A_5] : memref<10000x1xf32, #tpu.memory_space<vmem>>, vector<10000x1xf32>
    tpu.vector_store %arg1[%swap3A, %swap3A_5], %broadcast_in_dim3A {strides = array<i32>} : memref<10000x1xf32, #tpu.memory_space<vmem>>, vector<10000x1xf32>,
    return
  }
}

module attributes {stable_mosaic.version = 14 : i64} {
  func.func @l1_kernel(%arg0: i32, %arg1: memref<2000x128xf32, #tpu.memory_space<vmem>>, %arg2: memref<128x128xf32, #tpu.memory_space<vmem>>, %arg3: memref<2000x1xf32, #tpu.memory_space<vmem>>, %arg4: memref<2000x128xf32, #tpu.memory_space<vmem>>) attributes {dimension_semantics = [#tpu.dimension_semantics<arbitrary>], iteration_bounds = array<i64: 5>, scalar_prefetch = 0 : i64, scratch_operands = 0 : i64, tpu.core_type = #tpu.core_type<tc>, window_params = [{transform_indices = @transform_0, window_bounds = array<i64: 2000, 128>}, {pipeline_mode = #tpu.pipeline_mode<synchronous>, transform_indices = @transform_1, window_bounds = array<i64: 128, 128>}, {transform_indices = @transform_2, window_bounds = array<i64: 2000, 1>}, {transform_indices = @transform_3, window_bounds = array<i64: 2000, 128>}]} {
    %get3A = arith.constant 0 : index
    %get3A_0 = arith.constant 0 : index
    %get3A_1 = vector.load %arg1[%get3A, %get3A_0] : memref<2000x128xf32, #tpu.memory_space<vmem>>, vector<2000x128xf32>
    %get3A_2 = arith.constant 0 : index
    %get3A_3 = arith.constant 0 : index
    %get3A_4 = vector.load %arg2[%get3A_2, %get3A_3] : memref<128x128xf32, #tpu.memory_space<vmem>>, vector<128x128xf32>
    %dot_general3A = arith.constant dense<0.000000e+00> : vector<2000x128xf32>
    %dot_general3A_5 = tpu.matmul %get3A_1, %get3A_4, %dot_general3A {dimension_numbers = #tpu.dot_dimension_numbers<[1], [0], [0], [1], [0, 0, 1, 1], [], []>, transpose_lhs_hint = false} : vector<2000x128xf32>, vector<128x128xf32>, vector<2000x128xf32> -> vector<2000x128xf32>
    %get3A_6 = arith.constant 0 : index
    %get3A_7 = arith.constant 0 : index
    %get3A_8 = vector.load %arg3[%get3A_6, %get3A_7] : memref<2000x1xf32, #tpu.memory_space<vmem>>, vector<2000x1xf32>
    %mul3A = vector.broadcast %get3A_8 : vector<2000x1xf32> to vector<2000x128xf32>
    %mul3A_9 = arith.mulf %dot_general3A_5, %mul3A : vector<2000x128xf32>
    %swap3A = arith.constant 0 : index
    %swap3A_10 = arith.constant 0 : index
    %swap3A_11 = vector.load %arg4[%swap3A, %swap3A_10] : memref<2000x128xf32, #tpu.memory_space<vmem>>, vector<2000x128xf32>
    tpu.vector_store %arg4[%swap3A, %swap3A_10], %mul3A_9 {strides = array<i32>} : memref<2000x128xf32, #tpu.memory_space<vmem>>, vector<2000x128xf32>,
    return
  }
  func.func @transform_0(%arg0: i32) -> (i32, i32) {
    %c0_i32 = arith.constant 0 : i32
    %c0_i32_0 = arith.constant 0 : i32
    return %arg0, %c0_i32 : i32, i32
  }
  func.func @transform_1(%arg0: i32) -> (i32, i32) {
    %c0_i32 = arith.constant 0 : i32
    %c0_i32_0 = arith.constant 0 : i32
    %c0_i32_1 = arith.constant 0 : i32
    return %c0_i32, %c0_i32_0 : i32, i32
  }
  func.func @transform_2(%arg0: i32) -> (i32, i32) {
    %c0_i32 = arith.constant 0 : i32
    %c0_i32_0 = arith.constant 0 : i32
    return %arg0, %c0_i32 : i32, i32
  }
  func.func @transform_3(%arg0: i32) -> (i32, i32) {
    %c0_i32 = arith.constant 0 : i32
    %c0_i32_0 = arith.constant 0 : i32
    return %arg0, %c0_i32 : i32, i32
  }
}

module attributes {stable_mosaic.version = 14 : i64} {
  func.func @l2_kernel(%arg0: i32, %arg1: memref<2000x128xf32, #tpu.memory_space<vmem>>, %arg2: memref<1x128xf32, #tpu.memory_space<vmem>>, %arg3: memref<128x40xf32, #tpu.memory_space<vmem>>, %arg4: memref<2000x1xf32, #tpu.memory_space<vmem>>, %arg5: memref<2000x40xf32, #tpu.memory_space<vmem>>) attributes {dimension_semantics = [#tpu.dimension_semantics<arbitrary>], iteration_bounds = array<i64: 5>, scalar_prefetch = 0 : i64, scratch_operands = 0 : i64, tpu.core_type = #tpu.core_type<tc>, window_params = [{transform_indices = @transform_0, window_bounds = array<i64: 2000, 128>}, {pipeline_mode = #tpu.pipeline_mode<synchronous>, transform_indices = @transform_1, window_bounds = array<i64: 1, 128>}, {pipeline_mode = #tpu.pipeline_mode<synchronous>, transform_indices = @transform_2, window_bounds = array<i64: 128, 40>}, {transform_indices = @transform_3, window_bounds = array<i64: 2000, 1>}, {transform_indices = @transform_4, window_bounds = array<i64: 2000, 40>}]} {
    %get3A = arith.constant 0 : index
    %get3A_0 = arith.constant 0 : index
    %get3A_1 = vector.load %arg4[%get3A, %get3A_0] : memref<2000x1xf32, #tpu.memory_space<vmem>>, vector<2000x1xf32>
    %get3A_2 = arith.constant 0 : index
    %get3A_3 = arith.constant 0 : index
    %get3A_4 = vector.load %arg1[%get3A_2, %get3A_3] : memref<2000x128xf32, #tpu.memory_space<vmem>>, vector<2000x128xf32>
    %mul3A = vector.broadcast %get3A_1 : vector<2000x1xf32> to vector<2000x128xf32>
    %mul3A_5 = arith.mulf %get3A_4, %mul3A : vector<2000x128xf32>
    %get3A_6 = arith.constant 0 : index
    %get3A_7 = arith.constant 0 : index
    %get3A_8 = vector.load %arg2[%get3A_6, %get3A_7] : memref<1x128xf32, #tpu.memory_space<vmem>>, vector<1x128xf32>
    %add3A = vector.broadcast %get3A_8 : vector<1x128xf32> to vector<2000x128xf32>
    %add3A_9 = arith.addf %mul3A_5, %add3A : vector<2000x128xf32>
    %max3A = arith.constant 0.000000e+00 : f32
    %max3A_10 = vector.broadcast %max3A : f32 to vector<2000x128xf32>
    %max3A_11 = arith.maximumf %add3A_9, %max3A_10 : vector<2000x128xf32>
    %get3A_12 = arith.constant 0 : index
    %get3A_13 = arith.constant 0 : index
    %get3A_14 = vector.load %arg3[%get3A_12, %get3A_13] : memref<128x40xf32, #tpu.memory_space<vmem>>, vector<128x40xf32>
    %dot_general3A = arith.constant dense<0.000000e+00> : vector<2000x40xf32>
    %dot_general3A_15 = tpu.matmul %max3A_11, %get3A_14, %dot_general3A {dimension_numbers = #tpu.dot_dimension_numbers<[1], [0], [0], [1], [0, 0, 1, 1], [], []>, transpose_lhs_hint = false} : vector<2000x128xf32>, vector<128x40xf32>, vector<2000x40xf32> -> vector<2000x40xf32>
    %mul3A_16 = vector.broadcast %get3A_1 : vector<2000x1xf32> to vector<2000x40xf32>
    %mul3A_17 = arith.mulf %dot_general3A_15, %mul3A_16 : vector<2000x40xf32>
    %swap3A = arith.constant 0 : index
    %swap3A_18 = arith.constant 0 : index
    %swap3A_19 = vector.load %arg5[%swap3A, %swap3A_18] : memref<2000x40xf32, #tpu.memory_space<vmem>>, vector<2000x40xf32>
    tpu.vector_store %arg5[%swap3A, %swap3A_18], %mul3A_17 {strides = array<i32>} : memref<2000x40xf32, #tpu.memory_space<vmem>>, vector<2000x40xf32>,
    return
  }
  func.func @transform_0(%arg0: i32) -> (i32, i32) {
    %c0_i32 = arith.constant 0 : i32
    %c0_i32_0 = arith.constant 0 : i32
    return %arg0, %c0_i32 : i32, i32
  }
  func.func @transform_1(%arg0: i32) -> (i32, i32) {
    %c0_i32 = arith.constant 0 : i32
    %c0_i32_0 = arith.constant 0 : i32
    %c0_i32_1 = arith.constant 0 : i32
    return %c0_i32, %c0_i32_0 : i32, i32
  }
  func.func @transform_2(%arg0: i32) -> (i32, i32) {
    %c0_i32 = arith.constant 0 : i32
    %c0_i32_0 = arith.constant 0 : i32
    %c0_i32_1 = arith.constant 0 : i32
    return %c0_i32, %c0_i32_0 : i32, i32
  }
  func.func @transform_3(%arg0: i32) -> (i32, i32) {
    %c0_i32 = arith.constant 0 : i32
    %c0_i32_0 = arith.constant 0 : i32
    return %arg0, %c0_i32 : i32, i32
  }
  func.func @transform_4(%arg0: i32) -> (i32, i32) {
    %c0_i32 = arith.constant 0 : i32
    %c0_i32_0 = arith.constant 0 : i32
    return %arg0, %c0_i32 : i32, i32
  }
}

module attributes {stable_mosaic.version = 14 : i64} {
  func.func @out_kernel(%arg0: i32, %arg1: memref<2x2000x40xf32, #tpu.memory_space<vmem>>, %arg2: memref<1x40xf32, #tpu.memory_space<vmem>>, %arg3: memref<2000x1xf32, #tpu.memory_space<vmem>>, %arg4: memref<2000x40xf32, #tpu.memory_space<vmem>>) attributes {dimension_semantics = [#tpu.dimension_semantics<arbitrary>], iteration_bounds = array<i64: 5>, scalar_prefetch = 0 : i64, scratch_operands = 0 : i64, tpu.core_type = #tpu.core_type<tc>, window_params = [{transform_indices = @transform_0, window_bounds = array<i64: 2, 2000, 40>}, {pipeline_mode = #tpu.pipeline_mode<synchronous>, transform_indices = @transform_1, window_bounds = array<i64: 1, 40>}, {transform_indices = @transform_2, window_bounds = array<i64: 2000, 1>}, {transform_indices = @transform_3, window_bounds = array<i64: 2000, 40>}]} {
    %get3A = arith.constant 0 : index
    %get3A_0 = arith.constant 0 : index
    %get3A_1 = vector.load %arg3[%get3A, %get3A_0] : memref<2000x1xf32, #tpu.memory_space<vmem>>, vector<2000x1xf32>
    %get3A_2 = arith.constant 0 : index
    %get3A_3 = arith.constant 0 : index
    %get3A_4 = arith.constant 0 : index
    %get3A_5 = vector.load %arg1[%get3A_2, %get3A_3, %get3A_4] : memref<2x2000x40xf32, #tpu.memory_space<vmem>>, vector<1x2000x40xf32>
    %get3A_6 = vector.shape_cast %get3A_5 : vector<1x2000x40xf32> to vector<2000x40xf32>
    %get3A_7 = arith.constant 1 : index
    %get3A_8 = arith.constant 0 : index
    %get3A_9 = arith.constant 0 : index
    %get3A_10 = vector.load %arg1[%get3A_7, %get3A_8, %get3A_9] : memref<2x2000x40xf32, #tpu.memory_space<vmem>>, vector<1x2000x40xf32>
    %get3A_11 = vector.shape_cast %get3A_10 : vector<1x2000x40xf32> to vector<2000x40xf32>
    %add3A = arith.addf %get3A_6, %get3A_11 : vector<2000x40xf32>
    %mul3A = vector.broadcast %get3A_1 : vector<2000x1xf32> to vector<2000x40xf32>
    %mul3A_12 = arith.mulf %add3A, %mul3A : vector<2000x40xf32>
    %get3A_13 = arith.constant 0 : index
    %get3A_14 = arith.constant 0 : index
    %get3A_15 = vector.load %arg2[%get3A_13, %get3A_14] : memref<1x40xf32, #tpu.memory_space<vmem>>, vector<1x40xf32>
    %add3A_16 = vector.broadcast %get3A_15 : vector<1x40xf32> to vector<2000x40xf32>
    %add3A_17 = arith.addf %mul3A_12, %add3A_16 : vector<2000x40xf32>
    %reduce_max3A = arith.constant dense<0xFF800000> : vector<2000xf32>
    %reduce_max3A_18 = vector.multi_reduction <maximumf>, %add3A_17, %reduce_max3A [1] : vector<2000x40xf32> to vector<2000xf32>
    %broadcast_in_dim3A = vector.shape_cast %reduce_max3A_18 : vector<2000xf32> to vector<2000x1xf32>
    %sub3A = vector.broadcast %broadcast_in_dim3A : vector<2000x1xf32> to vector<2000x40xf32>
    %sub3A_19 = arith.subf %add3A_17, %sub3A : vector<2000x40xf32>
    %exp3A = math.exp %sub3A_19 : vector<2000x40xf32>
    %reduce_sum3A = arith.constant dense<0.000000e+00> : vector<2000xf32>
    %reduce_sum3A_20 = vector.multi_reduction <add>, %exp3A, %reduce_sum3A [1] : vector<2000x40xf32> to vector<2000xf32>
    %broadcast_in_dim3A_21 = vector.shape_cast %reduce_sum3A_20 : vector<2000xf32> to vector<2000x1xf32>
    %log3A = math.log %broadcast_in_dim3A_21 : vector<2000x1xf32>
    %add3A_22 = arith.addf %log3A, %broadcast_in_dim3A : vector<2000x1xf32>
    %sub3A_23 = vector.broadcast %add3A_22 : vector<2000x1xf32> to vector<2000x40xf32>
    %sub3A_24 = arith.subf %add3A_17, %sub3A_23 : vector<2000x40xf32>
    %swap3A = arith.constant 0 : index
    %swap3A_25 = arith.constant 0 : index
    %swap3A_26 = vector.load %arg4[%swap3A, %swap3A_25] : memref<2000x40xf32, #tpu.memory_space<vmem>>, vector<2000x40xf32>
    tpu.vector_store %arg4[%swap3A, %swap3A_25], %sub3A_24 {strides = array<i32>} : memref<2000x40xf32, #tpu.memory_space<vmem>>, vector<2000x40xf32>,
    return
  }
  func.func @transform_0(%arg0: i32) -> (i32, i32, i32) {
    %c0_i32 = arith.constant 0 : i32
    %c0_i32_0 = arith.constant 0 : i32
    %c0_i32_1 = arith.constant 0 : i32
    return %c0_i32, %arg0, %c0_i32_0 : i32, i32, i32
  }
  func.func @transform_1(%arg0: i32) -> (i32, i32) {
    %c0_i32 = arith.constant 0 : i32
    %c0_i32_0 = arith.constant 0 : i32
    %c0_i32_1 = arith.constant 0 : i32
    return %c0_i32, %c0_i32_0 : i32, i32
  }
  func.func @transform_2(%arg0: i32) -> (i32, i32) {
    %c0_i32 = arith.constant 0 : i32
    %c0_i32_0 = arith.constant 0 : i32
    return %arg0, %c0_i32 : i32, i32
  }
  func.func @transform_3(%arg0: i32) -> (i32, i32) {
    %c0_i32 = arith.constant 0 : i32
    %c0_i32_0 = arith.constant 0 : i32
    return %arg0, %c0_i32 : i32, i32
  }
}

</mosaic_0001>

<sc_bundles>
// kernel: kernel.12.cloned.1.call-start
scs
__scs_entry_jumppad:
0x0: {  	(pc) =	sbr.rel $0x88, $3  }
0x1: {  	(tag) =	ssettag $0x0;
	lr =	simm.s32 $0x1  }
0x2: {  	[smem:$0x3F9B] =	sst lr;
	_ =	strace $0xD0000000  }
0x3: {  	_ = 	snop  }
0x4: {  	_ = 	snop  }
0x5: {  	_ = 	snop  }
0x6: {  	_ = 	snop  }
0x7: {  	_ = 	snop  }
__scs_overlays_trampoline_lowered:
0x8: {  	[smem:$0x3FAA] =	sst s0  }
0x9: {  	[smem:$0x3FAB] =	sst s1  }
0xa: {  	[smem:$0x3FAC] =	sst s2  }
0xb: {  	[smem:$0x3FAD] =	sst s3  }
0xc: {  	[smem:$0x3FAE] =	sst s4  }
0xd: {  	[smem:$0x3FAF] =	sst s5  }
0xe: {  	[smem:$0x3FB0] =	sst s6  }
0xf: {  	[smem:$0x3FB1] =	sst s7  }
0x10: {  	[smem:$0x3FB2] =	sst s8  }
0x11: {  	[smem:$0x3FB3] =	sst s9;
	s0 =	simm.s32 @!p0 $0x0  }
0x12: {  	s1 =	sld [smem:$0x3F99];
	s0 =	simm.s32 @p0 $0x1  }
0x13: {  	[smem:$0x3FB4] =	sst s0;
	s0 =	simm.s32 @!p1 $0x0  }
0x14: {  	s2 =	sld [smem:$0x3F98];
	s0 =	simm.s32 @p1 $0x1  }
0x15: {  	[smem:$0x3FB5] =	sst s0;
	s0 =	simm.s32 @!p2 $0x0  }
0x16: {  	s3 =	sld [smem:$0x3FDB];
	s0 =	simm.s32 @p2 $0x1  }
0x17: {  	s4 =	simm.s32 $0x1BF5;
	[smem:$0x3FB7] =	sst s0  }
0x18: {  	s0 =	sld [smem:$0x3F9A];
	_ =	swait.ge [sflag:s4], $0x0  }
0x19: {  	s7 =	sld [smem:$0x3F9B]  }
0x1a: {  	s8 =	sadd.s32 $0xFFFFE003, lr  }
0x1b: {  	s9 =	sadd.s32 $0xFFFFFEF7, lr;
	s5 =	simm.s32 $0xFFFFFFFF;
	p2 =	slt.u32 s8, $0xFFFFF086  }
0x1c: {  	p1 =	slt.u32 s9, $0xF7A;
	s5 =	simm.s32 @!p2 $0x0  }
0x1d: {  	s5 =	simm.s32 @p1 $0x1;
	p0 =	seq.s32 s7, s2  }
0x1e: {  	s7 =	smul.u32 @!p0 $0xF7A, s2;
	p2 =	seq.s32 @!p0 s5, $0x0  }
0x1f: {  	s9 =	smul.u32 $0xF7A, s1;
	s8 =	simm.s32 @!p0 $0x1BF5;
	p2 =	por !p2, p0  }
0x20: {  	[sflag:s8] =	ssyncset.s32 @!p0 $0xFFFFF086;
	s6 =	sadd.s32 @!p0 s3, s7;
	s7 =	simm.s32 @!p0 $0x108  }
0x21: {  	s3 =	sadd.s32 s3, s9;
	s6 =	sadd.s32 @!p0 $0x88, s6;
	s7 =	simm.s32 @p2 $0x1082  }
0x22: {  	[simem:s7], [sflag:s8] =	dma.local @!p0 [hbm:s6], $0xF7A  }
0x23: {  	s9 =	sor.u32 $0xD0000000, s2;
	s6 =	simm.s32 $0x108;
	_ =	swait.ge @!p0 [sflag:s8], $0x0  }
0x24: {  	s3 =	sadd.s32 $0x88, s3;
	s6 =	simm.s32 @!p1 $0x1082;
	[sflag:s4] =	ssyncset.s32 $0xFFFFF086  }
0x25: {  	[simem:s6], [sflag:s4] =	dma.local [hbm:s3], $0xF7A  }
0x26: {  	[smem:$0x3F9B] =	sst s1;
	(tag) =	ssettag s2;
	_ =	strace s9  }
0x27: {  	s1 =	sld [smem:$0x3FAB]  }
0x28: {  	s2 =	sld [smem:$0x3FAC]  }
0x29: {  	s4 =	sld [smem:$0x3FAE]  }
0x2a: {  	p0 =	seq.s32 s5, $0x0;
	s5 =	sld [smem:$0x3FAF]  }
0x2b: {  	s6 =	sld [smem:$0x3FB0]  }
0x2c: {  	s7 =	sld [smem:$0x3FB1]  }
0x2d: {  	s3 =	simm.s32 $0x108;
	s8 =	sld [smem:$0x3FB2]  }
0x2e: {  	s3 =	simm.s32 @!p0 $0x1082;
	s9 =	sld [smem:$0x3FB3]  }
0x2f: {  	lr =	sadd.s32 s0, s3;
	s0 =	sld [smem:$0x3FAA]  }
0x30: {  	s3 =	sld [smem:$0x3FAD]  }
0x31: {  	[smem:$0x3FB6] =	sst s10  }
0x32: {  	s10 =	sld [smem:$0x3FB4];
	_ =	sdelay $0x3  }
0x33: {  	p0 =	seq.s32 s10, $0x1;
	s10 =	sld [smem:$0x3FB6];
	_ =	sdelay $0x3  }
0x34: {  	[smem:$0x3FB6] =	sst s10  }
0x35: {  	s10 =	sld [smem:$0x3FB5];
	_ =	sdelay $0x3  }
0x36: {  	p1 =	seq.s32 s10, $0x1;
	s10 =	sld [smem:$0x3FB6];
	_ =	sdelay $0x3  }
0x37: {  	[smem:$0x3FB6] =	sst s10  }
0x38: {  	s10 =	sld [smem:$0x3FB7]  }
0x39: {  	_ = 	snop;
	(pc) =	sbr.ind lr, $3  }
0x3a: {  	_ = 	snop  }
0x3b: {  	_ = 	snop  }
0x3c: {  	p2 =	seq.s32 s10, $0x1;
	s10 =	sld [smem:$0x3FB6]  }
0x3d: {  	_ =	shalt  }
0x3e: {  	_ =	shalt  }
0x3f: {  	_ =	shalt  }
0x40: {  	_ =	shalt  }
0x41: {  	_ =	shalt  }
0x42: {  	_ =	shalt  }
0x43: {  	_ =	shalt  }
0x44: {  	_ =	shalt  }
0x45: {  	_ =	shalt  }
0x46: {  	_ =	shalt  }
0x47: {  	_ =	shalt  }
0x48: {  	_ =	shalt  }
0x49: {  	_ =	shalt  }
0x4a: {  	_ =	shalt  }
0x4b: {  	_ =	shalt  }
0x4c: {  	_ =	shalt  }
0x4d: {  	_ =	shalt  }
0x4e: {  	_ =	shalt  }
0x4f: {  	_ =	shalt  }
0x50: {  	_ =	shalt  }
0x51: {  	_ =	shalt  }
0x52: {  	_ =	shalt  }
0x53: {  	_ =	shalt  }
0x54: {  	_ =	shalt  }
0x55: {  	_ =	shalt  }
0x56: {  	_ =	shalt  }
0x57: {  	_ =	shalt  }
0x58: {  	_ =	shalt  }
0x59: {  	_ =	shalt  }
0x5a: {  	_ =	shalt  }
0x5b: {  	_ =	shalt  }
0x5c: {  	_ =	shalt  }
0x5d: {  	_ =	shalt  }
0x5e: {  	_ =	shalt  }
0x5f: {  	_ =	shalt  }
0x60: {  	_ =	shalt  }
0x61: {  	_ =	shalt  }
0x62: {  	_ =	shalt  }
0x63: {  	_ =	shalt  }
0x64: {  	_ =	shalt  }
0x65: {  	_ =	shalt  }
0x66: {  	_ =	shalt  }
0x67: {  	_ =	shalt  }
0x68: {  	_ =	shalt  }
0x69: {  	_ =	shalt  }
0x6a: {  	_ =	shalt  }
0x6b: {  	_ =	shalt  }
0x6c: {  	_ =	shalt  }
0x6d: {  	_ =	shalt  }
0x6e: {  	_ =	shalt  }
0x6f: {  	_ =	shalt  }
0x70: {  	_ =	shalt  }
0x71: {  	_ =	shalt  }
0x72: {  	_ =	shalt  }
0x73: {  	_ =	shalt  }
0x74: {  	_ =	shalt  }
0x75: {  	_ =	shalt  }
0x76: {  	_ =	shalt  }
0x77: {  	_ =	shalt  }
0x78: {  	_ =	shalt  }
0x79: {  	_ =	shalt  }
0x7a: {  	_ =	shalt  }
0x7b: {  	_ =	shalt  }
0x7c: {  	_ =	shalt  }
0x7d: {  	_ =	shalt  }
0x7e: {  	_ =	shalt  }
0x7f: {  	_ =	shalt  }
0x80: {  	_ =	shalt  }
0x81: {  	_ =	shalt  }
0x82: {  	_ =	shalt  }
0x83: {  	_ =	shalt  }
0x84: {  	_ =	shalt  }
0x85: {  	_ =	shalt  }
0x86: {  	_ =	shalt  }
0x87: {  	_ =	shalt  }
.Lfunc_end0:
.L_simem_size_0:
called_computation.1_lowered:
.L_overlay_start_0:
0x88: {  	s2 =	sld [smem:$0x3FD9]  }
0x89: {  	s3 =	sld [smem:$0x3FFE];
	_ =	sdelay $0x1  }
0x8a: {  	s1 =	srdreg.scid  }
0x8b: {  	s0 =	sand.u32 $0x1, s1  }
0x8c: {  	s17 =	sshll.u32 s0, $0xA;
	s2 =	sadd.s32 s3, s2  }
0x8d: {  	s2 =	sadd.s32 s2, s17  }
0x8e: {  	[smem:$0x3FC2] =	sst s2  }
0x8f: {  	_ = 	snop  }
0x90: {  	s2 =	sld [smem:$0x3FD0];
	(tm) =	ssettm $0x1  }
0x91: {  	s18 =	sld [smem:$0x3FFB];
	_ =	sdelay $0x3  }
0x92: {  	_ =	strace s18  }
0x93: {  	s3 =	sld [smem:$0x3FFC];
	_ =	sdelay $0x3  }
0x94: {  	_ =	strace s3  }
0x95: {  	s3 =	sld [smem:$0x3FFD];
	_ =	sdelay $0x3  }
0x96: {  	_ =	strace s3  }
0x97: {  	_ =	strace $0x8FFFFFFF  }
0x98: {  	s19 =	sld [smem:$0x3FDB];
	_ =	sdelay $0x1  }
0x99: {  	s4 =	simm.s32 $_scs_section_size  }
0x9a: {  	s5 =	simm.s32 $_size__tile_overlayer_lowered;
	s6 =	simm.s32 $_tile_overlayer_lowered  }
0x9b: {  	s22 =	simm.s32 $0x1BFF;
	s21 =	sshll.u32 s6, $0x1;
	s3 =	sadd.s32 s4, s19  }
0x9c: {  	s7 =	simm.s32 $0x0;
	s20 =	sshll.u32 s5, $0x1;
	s5 =	sadd.s32 s21, s3  }
0x9d: {  	[timem:s7], [sflag:s22] =	dma.local [hbm:s5], s20  }
0x9e: {  	_ =	swait.ge [sflag:s22], s20  }
0x9f: {  	s4 =	ssub.s32 $0x0, s20;
	[sflag:s22] =	ssyncset.done $0x0  }
0xa0: {  	[sflag:s22] =	ssyncadd.s32 s4;
	_ =	sdelay $0x1  }
0xa1: {  	s23 =	simm.s32 $0x1B8B  }
0xa2: {  	_ =	swait.ge [sflag:s23], $0x1  }
0xa3: {  	[sflag:s23] =	ssyncset.done $0x0  }
0xa4: {  	s25 =	simm.s32 $0x1B8E;
	s24 =	sld [smem:$0x3FFE];
	[sflag:s23] =	ssyncadd.s32 $0xFFFFFFFF  }
0xa5: {  	s26 =	simm.s32 $execute0_lowered;
	[smem:$0x3FD2] =	sst s25  }
0xa6: {  	s5 =	sshll.u32 s26, $0x1;
	_ =	strace $0x80000049;
	[dreg:$0x1] =	wrdreg $0xFFFFFFFF  }
0xa7: {  	s28 =	simm.s32 $_size_execute0_lowered;
	s3 =	sadd.s32 s3, s5;
	[dreg:$0x0] =	wrdreg $0x0  }
0xa8: {  	s5 =	sshll.u32 s28, $0x1;
	[dreg:$0x2] =	wrdreg s3  }
0xa9: {  	[dreg:$0x3] =	wrdreg s5  }
0xaa: {  	[dreg:$0x4] =	wrdreg $0xC0  }
0xab: {  	_ =	task [dreg:s7], $0x5FFFF  }
0xac: {  	[dreg:$0x1] =	wrdreg $0xFFFFFFFF  }
0xad: {  	[dreg:$0x0] =	wrdreg $0x60  }
0xae: {  	[dreg:$0x2] =	wrdreg s24  }
0xaf: {  	[dreg:$0x3] =	wrdreg s2  }
0xb0: {  	[dreg:$0x4] =	wrdreg $0x141400  }
0xb1: {  	[dreg:$0x5] =	wrdreg $0x9  }
0xb2: {  	_ =	task.clear_ibuf [dreg:s7], $0x6FFFF;
	_ =	strace $0x90000049  }
0xb3: {  	s29 =	simm.s32 $0x9;
	_ =	strace $0x8000004B  }
0xb4: {  	_ =	swait.ge [sflag:s29], $0x1  }
0xb5: {  	[sflag:s29] =	ssyncadd.s32 $0xFFFFFFFF  }
0xb6: {  	_ =	strace $0x9000004B  }
0xb7: {  	_ =	sfence  }
0xb8: {  	s30 =	sld [smem:$0x0];
	_ =	sdelay $0x2  }
0xb9: {  	s31 =	sshll.u32 s1, $0xD;
	s1 =	sshrl.u32 s1, $0x2  }
0xba: {  	s3 =	sand.u32 $0x4000, s31;
	s1 =	sadd.s32 s1, s30  }
0xbb: {  	s0 =	sor.u32 s3, s0;
	s1 =	sshll.u32 s1, $0x11  }
0xbc: {  	s0 =	sor.u32 s1, s0  }
0xbd: {  	s0 =	sadd.s32 $0x8F2B, s0  }
0xbe: {  	[sflag:s0] =	ssyncadd.remote.s32 $0x1  }
0xbf: {  	_ =	sfence.sel $0xFFFF  }
0xc0: {  	[dreg:$0x0] =	wrdreg $0xFFFFFFFF;
	(pc) =	sbr.abs _section_cstart, $3  }
0xc1: {  	[dreg:$0x1] =	wrdreg $0xFFFFFFFF  }
0xc2: {  	_ =	task.clear_ibuf [dreg:s7], $0x2FFFF;
	_ =	strace $0x9FFFFFFF  }
0xc3: {  	(tm) =	ssettm $0x7FFFFFFF  }
tec
execute0_lowered:
.L_overlay_start_1:
0x0: {  	(tag) =	ssettag $0x1  }
0x1: {  	s0 =	rddreg [dreg:$0x0]  }
0x2: {  	s1 =	rddreg [dreg:$0x1];
	s3 =	srdreg.scid  }
0x3: {  	s13 =	stileid.u32;
	s2 =	rddreg [dreg:$0x2];
	s14 =	simm.s32 $0x1  }
0x4: {  	s15 =	simm.s32 $0x2;
	s16 =	simm.s32 $0x3;
	s17 =	simm.s32 $0x7D  }
0x5: {  	s18 =	simm.s32 $0xA500;
	s20 =	simm.s32 $0xC440;
	s22 =	simm.s32 $0xE380  }
0x6: {  	s28 =	simm.s32 $0x4;
	s29 =	simm.s32 $0x5;
	s7 =	smul.u32 $0x5280, s13  }
0x7: {  	s30 =	simm.s32 $0x6;
	s31 =	simm.s32 $0x7;
	s8 =	smul.u32 $0x14000, s13  }
0x8: {  	s5 =	sand.u32 $0x1, s3;
	s3 =	simm.s32 $0x0;
	s11 =	smul.u32 $0x28000, s13  }
0x9: {  	s24 =	sadd.s32 $0x1C00, s0;
	s4 =	smul.u32 $0x52800, s5;
	[smem:$0x7FF] =	sst s3  }
0xa: {  	s9 =	sshll.u32 s5, $0x6;
	s23 =	ssub.s32 $0x2, s5;
	_ =	strace $0x8000004A  }
0xb: {  	s8 =	sor.u32 s9, s8;
	s10 =	sshrl.u32 s23, $0x1;
	[dreg:$0x4] =	wrdreg s24  }
0xc: {  	s25 =	sshrl.u32 s11, $0x2;
	s24 =	simm.s32 $0x102C0;
	s6 =	sadd.s32 s7, s4  }
0xd: {  	s4 =	sadd.s32 $0x33E00, s0;
	s8 =	sshrl.u32 s8, $0x3;
	s12 =	ssub.s32 s23, s10  }
0xe: {  	s7 =	sshrl.u32 s7, $0x3;
	s26 =	sadd.s32 s25, s2;
	s23 =	simm.s32 $0xB  }
0xf: {  	s25 =	simm.s32 $0x0;
	s6 =	sshrl.u32 s6, $0x3;
	s7 =	sadd.s32 s1, s7  }
0x10: {  	s11 =	smax.u32 s12, $0x1;
	s1 =	simm.s32 $0x8;
	s12 =	simm.s32 $0xA  }
0x11: {  	s6 =	sadd.s32 s6, s0;
	s0 =	sadd.s32 s8, s0;
	s8 =	sshll.u32 s13, $0x6  }
0x12: {  	s13 =	sshrl.u32 s26, $0x3;
	s26 =	simm.s32 $0x12200;
	s6 =	sadd.s32 $0x1F400, s6  }
0x13: {  	s9 =	sor.u32 $0x1C03, s8;
	s10 =	sadd.s32 $0x5B000, s0;
	s0 =	simm.s32 $0x9  }
.LBB2_1:
0x14: {  	[tilespmem:s3], [sflag:$0x1] =	stream.linear.gather [hbm4b:s6+s3], $0x5280, $0x38;
	[tilespmem:$0x1E140] =	vst v63  }
0x15: {  	s5 =	simm.s32 $0x5280;
	s21 =	rddreg [dreg:$0x4]  }
0x16: {  	[tilespmem:s5], [sflag:$0x2] =	stream.linear.gather [hbm4b:s7+s3], $0x5280, $0x38;
	[tilespmem:$0x1E140] =	vst v63  }
0x17: {  	[spmem:s13], [sflag:s9] =	dma.local [hbm:s21], $0x1400  }
0x18: {  	_ =	swait.ge [sflag:s14], $0x5280  }
0x19: {  	[sflag:s14] =	ssyncset.done $0x0  }
0x1a: {  	[sflag:s14] =	ssyncadd.s32 $0xFFFFAD80  }
0x1b: {  	_ =	swait.ge [sflag:s15], $0x5280  }
0x1c: {  	[sflag:s15] =	ssyncset.done $0x0  }
0x1d: {  	[sflag:s15] =	ssyncadd.s32 $0xFFFFAD80  }
0x1e: {  	_ =	swait.ge [sflag:s16], $0x1400  }
0x1f: {  	[sflag:s16] =	ssyncset.done $0x0  }
0x20: {  	[sflag:s16] =	ssyncadd.s32 $0xFFFFEC00  }
0x21: {  	[bflag:$0x0] =	sbarrier.arrive $0xFFFF  }
0x22: {  	[tilespmem:s18], [sflag:$0x1] =	stream.indirect.gather [hbm4b:s4+s17], $0x40, s3, s17, $0xb8;
	[tilespmem:$0x1E140] =	vst v63  }
0x23: {  	s19 =	simm.s32 $0x80  }
0x24: {  	[tilespmem:s20], [sflag:$0x2] =	stream.indirect.gather [hbm4b:s4+s17], $0x40, s19, s17, $0xb8;
	[tilespmem:$0x1E140] =	vst v63  }
0x25: {  	s21 =	simm.s32 $0x100  }
0x26: {  	[tilespmem:s22], [sflag:$0x3] =	stream.indirect.gather [hbm4b:s4+s17], $0x40, s21, s17, $0xb8;
	[tilespmem:$0x1E140] =	vst v63  }
0x27: {  	s19 =	simm.s32 $0x180  }
0x28: {  	[tilespmem:s24], [sflag:$0x4] =	stream.indirect.gather [hbm4b:s4+s17], $0x40, s19, s17, $0xb8;
	[tilespmem:$0x1E140] =	vst v63  }
0x29: {  	s21 =	simm.s32 $0x200  }
0x2a: {  	[tilespmem:s26], [sflag:$0x5] =	stream.indirect.gather [hbm4b:s4+s17], $0x40, s21, s17, $0xb8;
	[tilespmem:$0x1E140] =	vst v63  }
0x2b: {  	_ =	swait.ge [sflag:s14], $0x1F40  }
0x2c: {  	[sflag:s14] =	ssyncset.done $0x0  }
0x2d: {  	s19 =	simm.s32 $0x5280;
	[sflag:s14] =	ssyncadd.s32 $0xFFFFE0C0  }
0x2e: {  	[spmem:s2] =	stream.indirect.scatter.add.f32 [tilespmem:s18], [sflag:$0x6], $0x40, s19, s17, $0xb8;
	[tilespmem:$0x1E140] =	vst v63  }
0x2f: {  	_ =	swait.ge [sflag:s15], $0x1F40  }
0x30: {  	[sflag:s15] =	ssyncset.done $0x0  }
0x31: {  	s5 =	simm.s32 $0x5300;
	[sflag:s15] =	ssyncadd.s32 $0xFFFFE0C0  }
0x32: {  	[spmem:s2] =	stream.indirect.scatter.add.f32 [tilespmem:s20], [sflag:$0x7], $0x40, s5, s17, $0xb8;
	[tilespmem:$0x1E140] =	vst v63  }
0x33: {  	_ =	swait.ge [sflag:s16], $0x1F40  }
0x34: {  	[sflag:s16] =	ssyncset.done $0x0  }
0x35: {  	s21 =	simm.s32 $0x5380;
	[sflag:s16] =	ssyncadd.s32 $0xFFFFE0C0  }
0x36: {  	[spmem:s2] =	stream.indirect.scatter.add.f32 [tilespmem:s22], [sflag:$0x8], $0x40, s21, s17, $0xb8;
	[tilespmem:$0x1E140] =	vst v63  }
0x37: {  	_ =	swait.ge [sflag:s28], $0x1F40  }
0x38: {  	[sflag:s28] =	ssyncset.done $0x0  }
0x39: {  	s5 =	simm.s32 $0x5400;
	[sflag:s28] =	ssyncadd.s32 $0xFFFFE0C0  }
0x3a: {  	[spmem:s2] =	stream.indirect.scatter.add.f32 [tilespmem:s24], [sflag:$0x9], $0x40, s5, s17, $0xb8;
	[tilespmem:$0x1E140] =	vst v63  }
0x3b: {  	_ =	swait.ge [sflag:s29], $0x1F40  }
0x3c: {  	[sflag:s29] =	ssyncset.done $0x0  }
0x3d: {  	s21 =	simm.s32 $0x5480;
	[sflag:s29] =	ssyncadd.s32 $0xFFFFE0C0  }
0x3e: {  	[spmem:s2] =	stream.indirect.scatter.add.f32 [tilespmem:s26], [sflag:$0xA], $0x40, s21, s17, $0xb8;
	[tilespmem:$0x1E140] =	vst v63  }
0x3f: {  	_ =	swait.ge [sflag:s30], $0x1F40  }
0x40: {  	[sflag:s30] =	ssyncset.done $0x0  }
0x41: {  	s5 =	simm.s32 $0x280;
	[sflag:s30] =	ssyncadd.s32 $0xFFFFE0C0  }
0x42: {  	[tilespmem:s18], [sflag:$0x1] =	stream.indirect.gather [hbm4b:s4+s17], $0x40, s5, s17, $0xb8;
	[tilespmem:$0x1E140] =	vst v63  }
0x43: {  	_ =	swait.ge [sflag:s31], $0x1F40  }
0x44: {  	[sflag:s31] =	ssyncset.done $0x0  }
0x45: {  	s21 =	simm.s32 $0x300;
	[sflag:s31] =	ssyncadd.s32 $0xFFFFE0C0  }
0x46: {  	[tilespmem:s20], [sflag:$0x2] =	stream.indirect.gather [hbm4b:s4+s17], $0x40, s21, s17, $0xb8;
	[tilespmem:$0x1E140] =	vst v63  }
0x47: {  	_ =	swait.ge [sflag:s1], $0x1F40  }
0x48: {  	[sflag:s1] =	ssyncset.done $0x0  }
0x49: {  	s5 =	simm.s32 $0x380;
	[sflag:s1] =	ssyncadd.s32 $0xFFFFE0C0  }
0x4a: {  	[tilespmem:s22], [sflag:$0x3] =	stream.indirect.gather [hbm4b:s4+s17], $0x40, s5, s17, $0xb8;
	[tilespmem:$0x1E140] =	vst v63  }
0x4b: {  	_ =	swait.ge [sflag:s0], $0x1F40  }
0x4c: {  	[sflag:s0] =	ssyncset.done $0x0  }
0x4d: {  	s21 =	simm.s32 $0x400;
	[sflag:s0] =	ssyncadd.s32 $0xFFFFE0C0  }
0x4e: {  	[tilespmem:s24], [sflag:$0x4] =	stream.indirect.gather [hbm4b:s4+s17], $0x40, s21, s17, $0xb8;
	[tilespmem:$0x1E140] =	vst v63  }
0x4f: {  	_ =	swait.ge [sflag:s12], $0x1F40  }
0x50: {  	[sflag:s12] =	ssyncset.done $0x0  }
0x51: {  	s19 =	simm.s32 $0xA00;
	s21 =	simm.s32 $0x480;
	[sflag:s12] =	ssyncadd.s32 $0xFFFFE0C0  }
.LBB2_2:
0x52: {  	[tilespmem:s26], [sflag:$0x5] =	stream.indirect.gather [hbm4b:s4+s17], $0x40, s21, s17, $0xb8;
	[tilespmem:$0x1E140] =	vst v63  }
0x53: {  	s21 =	smov.u32 s19  }
0x54: {  	p0 =	sne.s32 s19, $0x13600;
	s19 =	sadd.s32 $0xA00, s19;
	_ =	swait.ge [sflag:s14], $0x1F40  }
0x55: {  	s21 =	sshra.s32 s21, $0x2;
	[sflag:s14] =	ssyncset.done $0x0  }
0x56: {  	s5 =	sadd.s32 $0x5280, s21;
	[sflag:s14] =	ssyncadd.s32 $0xFFFFE0C0  }
0x57: {  	[spmem:s2] =	stream.indirect.scatter.add.f32 [tilespmem:s18], [sflag:$0x6], $0x40, s5, s17, $0xb8;
	[tilespmem:$0x1E140] =	vst v63  }
0x58: {  	_ =	swait.ge [sflag:s15], $0x1F40  }
0x59: {  	[sflag:s15] =	ssyncset.done $0x0  }
0x5a: {  	s5 =	sadd.s32 $0x5300, s21;
	[sflag:s15] =	ssyncadd.s32 $0xFFFFE0C0  }
0x5b: {  	[spmem:s2] =	stream.indirect.scatter.add.f32 [tilespmem:s20], [sflag:$0x7], $0x40, s5, s17, $0xb8;
	[tilespmem:$0x1E140] =	vst v63  }
0x5c: {  	_ =	swait.ge [sflag:s16], $0x1F40  }
0x5d: {  	[sflag:s16] =	ssyncset.done $0x0  }
0x5e: {  	s5 =	sadd.s32 $0x5380, s21;
	[sflag:s16] =	ssyncadd.s32 $0xFFFFE0C0  }
0x5f: {  	[spmem:s2] =	stream.indirect.scatter.add.f32 [tilespmem:s22], [sflag:$0x8], $0x40, s5, s17, $0xb8;
	[tilespmem:$0x1E140] =	vst v63  }
0x60: {  	_ =	swait.ge [sflag:s28], $0x1F40  }
0x61: {  	[sflag:s28] =	ssyncset.done $0x0  }
0x62: {  	s5 =	sadd.s32 $0x5400, s21;
	[sflag:s28] =	ssyncadd.s32 $0xFFFFE0C0  }
0x63: {  	[spmem:s2] =	stream.indirect.scatter.add.f32 [tilespmem:s24], [sflag:$0x9], $0x40, s5, s17, $0xb8;
	[tilespmem:$0x1E140] =	vst v63  }
0x64: {  	_ =	swait.ge [sflag:s29], $0x1F40  }
0x65: {  	[sflag:s29] =	ssyncset.done $0x0  }
0x66: {  	s5 =	sadd.s32 $0x5480, s21;
	[sflag:s29] =	ssyncadd.s32 $0xFFFFE0C0  }
0x67: {  	[spmem:s2] =	stream.indirect.scatter.add.f32 [tilespmem:s26], [sflag:$0xA], $0x40, s5, s17, $0xb8;
	[tilespmem:$0x1E140] =	vst v63  }
0x68: {  	_ =	swait.ge [sflag:s30], $0x1F40  }
0x69: {  	[sflag:s30] =	ssyncset.done $0x0  }
0x6a: {  	s5 =	sadd.s32 $0x280, s21;
	[sflag:s30] =	ssyncadd.s32 $0xFFFFE0C0  }
0x6b: {  	[tilespmem:s18], [sflag:$0x1] =	stream.indirect.gather [hbm4b:s4+s17], $0x40, s5, s17, $0xb8;
	[tilespmem:$0x1E140] =	vst v63  }
0x6c: {  	_ =	swait.ge [sflag:s31], $0x1F40  }
0x6d: {  	[sflag:s31] =	ssyncset.done $0x0  }
0x6e: {  	s5 =	sadd.s32 $0x300, s21;
	[sflag:s31] =	ssyncadd.s32 $0xFFFFE0C0  }
0x6f: {  	[tilespmem:s20], [sflag:$0x2] =	stream.indirect.gather [hbm4b:s4+s17], $0x40, s5, s17, $0xb8;
	[tilespmem:$0x1E140] =	vst v63  }
0x70: {  	_ =	swait.ge [sflag:s1], $0x1F40  }
0x71: {  	[sflag:s1] =	ssyncset.done $0x0  }
0x72: {  	s5 =	sadd.s32 $0x380, s21;
	[sflag:s1] =	ssyncadd.s32 $0xFFFFE0C0  }
0x73: {  	[tilespmem:s22], [sflag:$0x3] =	stream.indirect.gather [hbm4b:s4+s17], $0x40, s5, s17, $0xb8;
	[tilespmem:$0x1E140] =	vst v63  }
0x74: {  	_ =	swait.ge [sflag:s0], $0x1F40  }
0x75: {  	[sflag:s0] =	ssyncset.done $0x0  }
.Ltmp0:
0x76: {  	s5 =	sadd.s32 $0x400, s21;
	[sflag:s0] =	ssyncadd.s32 $0xFFFFE0C0;
	(pc) =	sbr.rel @p0 .LBB2_2-.Ltmp0, $4  }
0x77: {  	[tilespmem:s24], [sflag:$0x4] =	stream.indirect.gather [hbm4b:s4+s17], $0x40, s5, s17, $0xb8;
	[tilespmem:$0x1E140] =	vst v63  }
0x78: {  	_ =	swait.ge [sflag:s12], $0x1F40  }
0x79: {  	[sflag:s12] =	ssyncset.done $0x0  }
0x7a: {  	s21 =	sadd.s32 $0x480, s21;
	[sflag:s12] =	ssyncadd.s32 $0xFFFFE0C0  }
0x7b: {  	[tilespmem:s26], [sflag:$0x5] =	stream.indirect.gather [hbm4b:s4+s17], $0x40, s21, s17, $0xb8;
	[tilespmem:$0x1E140] =	vst v63  }
0x7c: {  	_ =	swait.ge [sflag:s14], $0x1F40  }
0x7d: {  	[sflag:s14] =	ssyncset.done $0x0  }
0x7e: {  	s5 =	simm.s32 $0xA280;
	[sflag:s14] =	ssyncadd.s32 $0xFFFFE0C0  }
0x7f: {  	[spmem:s2] =	stream.indirect.scatter.add.f32 [tilespmem:s18], [sflag:$0x6], $0x40, s5, s17, $0xb8;
	[tilespmem:$0x1E140] =	vst v63  }
0x80: {  	_ =	swait.ge [sflag:s15], $0x1F40  }
0x81: {  	[sflag:s15] =	ssyncset.done $0x0  }
0x82: {  	s21 =	simm.s32 $0xA300;
	[sflag:s15] =	ssyncadd.s32 $0xFFFFE0C0  }
0x83: {  	[spmem:s2] =	stream.indirect.scatter.add.f32 [tilespmem:s20], [sflag:$0x7], $0x40, s21, s17, $0xb8;
	[tilespmem:$0x1E140] =	vst v63  }
0x84: {  	_ =	swait.ge [sflag:s16], $0x1F40  }
0x85: {  	[sflag:s16] =	ssyncset.done $0x0  }
0x86: {  	s19 =	simm.s32 $0xA380;
	[sflag:s16] =	ssyncadd.s32 $0xFFFFE0C0  }
0x87: {  	[spmem:s2] =	stream.indirect.scatter.add.f32 [tilespmem:s22], [sflag:$0x8], $0x40, s19, s17, $0xb8;
	[tilespmem:$0x1E140] =	vst v63  }
0x88: {  	_ =	swait.ge [sflag:s28], $0x1F40  }
0x89: {  	[sflag:s28] =	ssyncset.done $0x0  }
0x8a: {  	s21 =	simm.s32 $0xA400;
	[sflag:s28] =	ssyncadd.s32 $0xFFFFE0C0  }
0x8b: {  	[spmem:s2] =	stream.indirect.scatter.add.f32 [tilespmem:s24], [sflag:$0x9], $0x40, s21, s17, $0xb8;
	[tilespmem:$0x1E140] =	vst v63  }
0x8c: {  	_ =	swait.ge [sflag:s29], $0x1F40  }
0x8d: {  	[sflag:s29] =	ssyncset.done $0x0  }
0x8e: {  	s19 =	simm.s32 $0xA480;
	[sflag:s29] =	ssyncadd.s32 $0xFFFFE0C0  }
0x8f: {  	[spmem:s2] =	stream.indirect.scatter.add.f32 [tilespmem:s26], [sflag:$0xA], $0x40, s19, s17, $0xb8;
	[tilespmem:$0x1E140] =	vst v63  }
0x90: {  	_ =	swait.ge [sflag:s30], $0x1F40  }
0x91: {  	[sflag:s30] =	ssyncset.done $0x0  }
0x92: {  	[sflag:s30] =	ssyncadd.s32 $0xFFFFE0C0  }
0x93: {  	_ =	swait.ge [sflag:s31], $0x1F40  }
0x94: {  	[sflag:s31] =	ssyncset.done $0x0  }
0x95: {  	[sflag:s31] =	ssyncadd.s32 $0xFFFFE0C0  }
0x96: {  	_ =	swait.ge [sflag:s1], $0x1F40  }
0x97: {  	[sflag:s1] =	ssyncset.done $0x0  }
0x98: {  	[sflag:s1] =	ssyncadd.s32 $0xFFFFE0C0  }
0x99: {  	_ =	swait.ge [sflag:s0], $0x1F40  }
0x9a: {  	[sflag:s0] =	ssyncset.done $0x0  }
0x9b: {  	[sflag:s0] =	ssyncadd.s32 $0xFFFFE0C0  }
0x9c: {  	_ =	swait.ge [sflag:s12], $0x1F40  }
0x9d: {  	s25 =	sadd.s32 $0x1, s25;
	[sflag:s12] =	ssyncset.done $0x0  }
0x9e: {  	p0 =	sne.s32 s25, s11;
	s21 =	sor.u32 $0x1C0B, s8;
	[sflag:s12] =	ssyncadd.s32 $0xFFFFE0C0  }
.Ltmp1:
0x9f: {  	s19 =	simm.s32 $0x10;
	[bflag:$0x0] =	sbarrier.arrive $0xFFFF;
	(pc) =	sbr.rel @p0 .LBB2_1-.Ltmp1, $4  }
0xa0: {  	[hbm:s10@s19], [sflag:s21] =	dma.strided [spmem:s13@s1], $0x1400, s14, $0x8   }
0xa1: {  	_ =	swait.ge [sflag:s23], $0x1400  }
0xa2: {  	[sflag:s23] =	ssyncset.done $0x0  }
0xa3: {  	[sflag:s23] =	ssyncadd.s32 $0xFFFFEC00  }
0xa4: {  	_ =	sfence.sel $0x180000  }
0xa5: {  	[bflag:$0x0] =	sbarrier.arrive $0xFFFF  }
0xa6: {  	_ =	strace $0x9000004A  }
0xa7: {  	s0 =	stileid.u32;
	[bflag:$0x2] =	sbarrier.arrive $0xFFFF  }
0xa8: {  	p0 =	sne.s32 s0, $0x0;
	s0 =	rddreg [dreg:$0x3]  }
0xa9: {  	s0 =	sadd.s32 @!p0 $0x100000, s0  }
0xaa: {  	[sflag:s0] =	ssyncadd.tile.s32 @!p0 $0x1;
	_ =	shalt  }
.Lfunc_end2:
_tile_overlayer_lowered:
.L_overlay_start_2:
0xab: {  	(tag) =	ssettag $0x2  }
0xac: {  	s0 =	rddreg [dreg:$0x0];
	s2 =	stileid.u32  }
0xad: {  	s1 =	rddreg [dreg:$0x1];
	p0 =	sne.s32 s2, $0x0  }
0xae: {  	s3 =	rddreg [dreg:$0x2];
	[bflag:$0x3] =	sbarrier.arrive $0xFFFF;
	s2 =	simm.s32 @!p0 $0x1C0B  }
0xaf: {  	[timem:s3], [sflag:s2] =	dma.local @!p0 [hbm:s0], s1  }
0xb0: {  	s0 =	simm.s32 @!p0 $0xB  }
0xb1: {  	_ =	swait.ge @!p0 [sflag:s0], s1  }
0xb2: {  	s1 =	ssub.s32 @!p0 $0x0, s1;
	[sflag:s0] =	ssyncset.done @!p0 $0x0  }
0xb3: {  	[sflag:s0] =	ssyncadd.s32 @!p0 s1  }
0xb4: {  	[bflag:$0x3] =	sbarrier.arrive $0xFFFF  }
0xb5: {  	_ =	shalt  }

// kernel: kernel.15.cloned.1.call-start
scs
__scs_entry_jumppad:
0x0: {  	(pc) =	sbr.rel $0x88, $3  }
0x1: {  	(tag) =	ssettag $0x0;
	lr =	simm.s32 $0x1  }
0x2: {  	[smem:$0x3F9B] =	sst lr;
	_ =	strace $0xD0000000  }
0x3: {  	_ = 	snop  }
0x4: {  	_ = 	snop  }
0x5: {  	_ = 	snop  }
0x6: {  	_ = 	snop  }
0x7: {  	_ = 	snop  }
__scs_overlays_trampoline_lowered:
0x8: {  	[smem:$0x3FAA] =	sst s0  }
0x9: {  	[smem:$0x3FAB] =	sst s1  }
0xa: {  	[smem:$0x3FAC] =	sst s2  }
0xb: {  	[smem:$0x3FAD] =	sst s3  }
0xc: {  	[smem:$0x3FAE] =	sst s4  }
0xd: {  	[smem:$0x3FAF] =	sst s5  }
0xe: {  	[smem:$0x3FB0] =	sst s6  }
0xf: {  	[smem:$0x3FB1] =	sst s7  }
0x10: {  	[smem:$0x3FB2] =	sst s8  }
0x11: {  	[smem:$0x3FB3] =	sst s9;
	s0 =	simm.s32 @!p0 $0x0  }
0x12: {  	s1 =	sld [smem:$0x3F99];
	s0 =	simm.s32 @p0 $0x1  }
0x13: {  	[smem:$0x3FB4] =	sst s0;
	s0 =	simm.s32 @!p1 $0x0  }
0x14: {  	s2 =	sld [smem:$0x3F98];
	s0 =	simm.s32 @p1 $0x1  }
0x15: {  	[smem:$0x3FB5] =	sst s0;
	s0 =	simm.s32 @!p2 $0x0  }
0x16: {  	s3 =	sld [smem:$0x3FDB];
	s0 =	simm.s32 @p2 $0x1  }
0x17: {  	s4 =	simm.s32 $0x1BF5;
	[smem:$0x3FB7] =	sst s0  }
0x18: {  	s0 =	sld [smem:$0x3F9A];
	_ =	swait.ge [sflag:s4], $0x0  }
0x19: {  	s7 =	sld [smem:$0x3F9B]  }
0x1a: {  	s8 =	sadd.s32 $0xFFFFE003, lr  }
0x1b: {  	s9 =	sadd.s32 $0xFFFFFEF7, lr;
	s5 =	simm.s32 $0xFFFFFFFF;
	p2 =	slt.u32 s8, $0xFFFFF086  }
0x1c: {  	p1 =	slt.u32 s9, $0xF7A;
	s5 =	simm.s32 @!p2 $0x0  }
0x1d: {  	s5 =	simm.s32 @p1 $0x1;
	p0 =	seq.s32 s7, s2  }
0x1e: {  	s7 =	smul.u32 @!p0 $0xF7A, s2;
	p2 =	seq.s32 @!p0 s5, $0x0  }
0x1f: {  	s9 =	smul.u32 $0xF7A, s1;
	s8 =	simm.s32 @!p0 $0x1BF5;
	p2 =	por !p2, p0  }
0x20: {  	[sflag:s8] =	ssyncset.s32 @!p0 $0xFFFFF086;
	s6 =	sadd.s32 @!p0 s3, s7;
	s7 =	simm.s32 @!p0 $0x108  }
0x21: {  	s3 =	sadd.s32 s3, s9;
	s6 =	sadd.s32 @!p0 $0x88, s6;
	s7 =	simm.s32 @p2 $0x1082  }
0x22: {  	[simem:s7], [sflag:s8] =	dma.local @!p0 [hbm:s6], $0xF7A  }
0x23: {  	s9 =	sor.u32 $0xD0000000, s2;
	s6 =	simm.s32 $0x108;
	_ =	swait.ge @!p0 [sflag:s8], $0x0  }
0x24: {  	s3 =	sadd.s32 $0x88, s3;
	s6 =	simm.s32 @!p1 $0x1082;
	[sflag:s4] =	ssyncset.s32 $0xFFFFF086  }
0x25: {  	[simem:s6], [sflag:s4] =	dma.local [hbm:s3], $0xF7A  }
0x26: {  	[smem:$0x3F9B] =	sst s1;
	(tag) =	ssettag s2;
	_ =	strace s9  }
0x27: {  	s1 =	sld [smem:$0x3FAB]  }
0x28: {  	s2 =	sld [smem:$0x3FAC]  }
0x29: {  	s4 =	sld [smem:$0x3FAE]  }
0x2a: {  	p0 =	seq.s32 s5, $0x0;
	s5 =	sld [smem:$0x3FAF]  }
0x2b: {  	s6 =	sld [smem:$0x3FB0]  }
0x2c: {  	s7 =	sld [smem:$0x3FB1]  }
0x2d: {  	s3 =	simm.s32 $0x108;
	s8 =	sld [smem:$0x3FB2]  }
0x2e: {  	s3 =	simm.s32 @!p0 $0x1082;
	s9 =	sld [smem:$0x3FB3]  }
0x2f: {  	lr =	sadd.s32 s0, s3;
	s0 =	sld [smem:$0x3FAA]  }
0x30: {  	s3 =	sld [smem:$0x3FAD]  }
0x31: {  	[smem:$0x3FB6] =	sst s10  }
0x32: {  	s10 =	sld [smem:$0x3FB4];
	_ =	sdelay $0x3  }
0x33: {  	p0 =	seq.s32 s10, $0x1;
	s10 =	sld [smem:$0x3FB6];
	_ =	sdelay $0x3  }
0x34: {  	[smem:$0x3FB6] =	sst s10  }
0x35: {  	s10 =	sld [smem:$0x3FB5];
	_ =	sdelay $0x3  }
0x36: {  	p1 =	seq.s32 s10, $0x1;
	s10 =	sld [smem:$0x3FB6];
	_ =	sdelay $0x3  }
0x37: {  	[smem:$0x3FB6] =	sst s10  }
0x38: {  	s10 =	sld [smem:$0x3FB7]  }
0x39: {  	_ = 	snop;
	(pc) =	sbr.ind lr, $3  }
0x3a: {  	_ = 	snop  }
0x3b: {  	_ = 	snop  }
0x3c: {  	p2 =	seq.s32 s10, $0x1;
	s10 =	sld [smem:$0x3FB6]  }
0x3d: {  	_ =	shalt  }
0x3e: {  	_ =	shalt  }
0x3f: {  	_ =	shalt  }
0x40: {  	_ =	shalt  }
0x41: {  	_ =	shalt  }
0x42: {  	_ =	shalt  }
0x43: {  	_ =	shalt  }
0x44: {  	_ =	shalt  }
0x45: {  	_ =	shalt  }
0x46: {  	_ =	shalt  }
0x47: {  	_ =	shalt  }
0x48: {  	_ =	shalt  }
0x49: {  	_ =	shalt  }
0x4a: {  	_ =	shalt  }
0x4b: {  	_ =	shalt  }
0x4c: {  	_ =	shalt  }
0x4d: {  	_ =	shalt  }
0x4e: {  	_ =	shalt  }
0x4f: {  	_ =	shalt  }
0x50: {  	_ =	shalt  }
0x51: {  	_ =	shalt  }
0x52: {  	_ =	shalt  }
0x53: {  	_ =	shalt  }
0x54: {  	_ =	shalt  }
0x55: {  	_ =	shalt  }
0x56: {  	_ =	shalt  }
0x57: {  	_ =	shalt  }
0x58: {  	_ =	shalt  }
0x59: {  	_ =	shalt  }
0x5a: {  	_ =	shalt  }
0x5b: {  	_ =	shalt  }
0x5c: {  	_ =	shalt  }
0x5d: {  	_ =	shalt  }
0x5e: {  	_ =	shalt  }
0x5f: {  	_ =	shalt  }
0x60: {  	_ =	shalt  }
0x61: {  	_ =	shalt  }
0x62: {  	_ =	shalt  }
0x63: {  	_ =	shalt  }
0x64: {  	_ =	shalt  }
0x65: {  	_ =	shalt  }
0x66: {  	_ =	shalt  }
0x67: {  	_ =	shalt  }
0x68: {  	_ =	shalt  }
0x69: {  	_ =	shalt  }
0x6a: {  	_ =	shalt  }
0x6b: {  	_ =	shalt  }
0x6c: {  	_ =	shalt  }
0x6d: {  	_ =	shalt  }
0x6e: {  	_ =	shalt  }
0x6f: {  	_ =	shalt  }
0x70: {  	_ =	shalt  }
0x71: {  	_ =	shalt  }
0x72: {  	_ =	shalt  }
0x73: {  	_ =	shalt  }
0x74: {  	_ =	shalt  }
0x75: {  	_ =	shalt  }
0x76: {  	_ =	shalt  }
0x77: {  	_ =	shalt  }
0x78: {  	_ =	shalt  }
0x79: {  	_ =	shalt  }
0x7a: {  	_ =	shalt  }
0x7b: {  	_ =	shalt  }
0x7c: {  	_ =	shalt  }
0x7d: {  	_ =	shalt  }
0x7e: {  	_ =	shalt  }
0x7f: {  	_ =	shalt  }
0x80: {  	_ =	shalt  }
0x81: {  	_ =	shalt  }
0x82: {  	_ =	shalt  }
0x83: {  	_ =	shalt  }
0x84: {  	_ =	shalt  }
0x85: {  	_ =	shalt  }
0x86: {  	_ =	shalt  }
0x87: {  	_ =	shalt  }
.Lfunc_end0:
.L_simem_size_0:
called_computation.2_lowered:
.L_overlay_start_0:
0x88: {  	s2 =	sld [smem:$0x3FD9]  }
0x89: {  	s3 =	sld [smem:$0x3FFE];
	_ =	sdelay $0x1  }
0x8a: {  	s1 =	srdreg.scid  }
0x8b: {  	s0 =	sand.u32 $0x1, s1  }
0x8c: {  	s17 =	sshll.u32 s0, $0xA;
	s2 =	sadd.s32 s3, s2  }
0x8d: {  	s2 =	sadd.s32 s2, s17  }
0x8e: {  	[smem:$0x3FC2] =	sst s2  }
0x8f: {  	_ = 	snop  }
0x90: {  	s2 =	sld [smem:$0x3FD0];
	(tm) =	ssettm $0x1  }
0x91: {  	s18 =	sld [smem:$0x3FFB];
	_ =	sdelay $0x3  }
0x92: {  	_ =	strace s18  }
0x93: {  	s3 =	sld [smem:$0x3FFC];
	_ =	sdelay $0x3  }
0x94: {  	_ =	strace s3  }
0x95: {  	s3 =	sld [smem:$0x3FFD];
	_ =	sdelay $0x3  }
0x96: {  	_ =	strace s3  }
0x97: {  	_ =	strace $0x8FFFFFFF  }
0x98: {  	s19 =	sld [smem:$0x3FDB];
	_ =	sdelay $0x1  }
0x99: {  	s4 =	simm.s32 $_scs_section_size  }
0x9a: {  	s5 =	simm.s32 $_size__tile_overlayer_lowered;
	s6 =	simm.s32 $_tile_overlayer_lowered  }
0x9b: {  	s22 =	simm.s32 $0x1BFF;
	s21 =	sshll.u32 s6, $0x1;
	s3 =	sadd.s32 s4, s19  }
0x9c: {  	s7 =	simm.s32 $0x0;
	s20 =	sshll.u32 s5, $0x1;
	s5 =	sadd.s32 s21, s3  }
0x9d: {  	[timem:s7], [sflag:s22] =	dma.local [hbm:s5], s20  }
0x9e: {  	_ =	swait.ge [sflag:s22], s20  }
0x9f: {  	s4 =	ssub.s32 $0x0, s20;
	[sflag:s22] =	ssyncset.done $0x0  }
0xa0: {  	[sflag:s22] =	ssyncadd.s32 s4;
	_ =	sdelay $0x1  }
0xa1: {  	s23 =	simm.s32 $0x1B8B  }
0xa2: {  	_ =	swait.ge [sflag:s23], $0x1  }
0xa3: {  	[sflag:s23] =	ssyncset.done $0x0  }
0xa4: {  	s25 =	simm.s32 $0x1B8E;
	s24 =	sld [smem:$0x3FFE];
	[sflag:s23] =	ssyncadd.s32 $0xFFFFFFFF  }
0xa5: {  	s26 =	simm.s32 $execute0_lowered;
	[smem:$0x3FD2] =	sst s25  }
0xa6: {  	s5 =	sshll.u32 s26, $0x1;
	_ =	strace $0x8000004C;
	[dreg:$0x1] =	wrdreg $0xFFFFFFFF  }
0xa7: {  	s28 =	simm.s32 $_size_execute0_lowered;
	s3 =	sadd.s32 s3, s5;
	[dreg:$0x0] =	wrdreg $0x0  }
0xa8: {  	s5 =	sshll.u32 s28, $0x1;
	[dreg:$0x2] =	wrdreg s3  }
0xa9: {  	[dreg:$0x3] =	wrdreg s5  }
0xaa: {  	[dreg:$0x4] =	wrdreg $0xC0  }
0xab: {  	_ =	task [dreg:s7], $0x5FFFF  }
0xac: {  	[dreg:$0x1] =	wrdreg $0xFFFFFFFF  }
0xad: {  	[dreg:$0x0] =	wrdreg $0x60  }
0xae: {  	[dreg:$0x2] =	wrdreg s2  }
0xaf: {  	[dreg:$0x3] =	wrdreg s24  }
0xb0: {  	[dreg:$0x4] =	wrdreg $0xB1A80  }
0xb1: {  	[dreg:$0x5] =	wrdreg $0x9  }
0xb2: {  	_ =	task.clear_ibuf [dreg:s7], $0x6FFFF;
	_ =	strace $0x9000004C  }
0xb3: {  	s29 =	simm.s32 $0x9;
	_ =	strace $0x8000004E  }
0xb4: {  	_ =	swait.ge [sflag:s29], $0x1  }
0xb5: {  	[sflag:s29] =	ssyncadd.s32 $0xFFFFFFFF  }
0xb6: {  	_ =	strace $0x9000004E  }
0xb7: {  	_ =	sfence  }
0xb8: {  	s30 =	sld [smem:$0x0];
	_ =	sdelay $0x2  }
0xb9: {  	s31 =	sshll.u32 s1, $0xD;
	s1 =	sshrl.u32 s1, $0x2  }
0xba: {  	s3 =	sand.u32 $0x4000, s31;
	s1 =	sadd.s32 s1, s30  }
0xbb: {  	s0 =	sor.u32 s3, s0;
	s1 =	sshll.u32 s1, $0x11  }
0xbc: {  	s0 =	sor.u32 s1, s0  }
0xbd: {  	s0 =	sadd.s32 $0x8F2B, s0  }
0xbe: {  	[sflag:s0] =	ssyncadd.remote.s32 $0x1  }
0xbf: {  	_ =	sfence.sel $0xFFFF  }
0xc0: {  	[dreg:$0x0] =	wrdreg $0xFFFFFFFF;
	(pc) =	sbr.abs _section_cstart, $3  }
0xc1: {  	[dreg:$0x1] =	wrdreg $0xFFFFFFFF  }
0xc2: {  	_ =	task.clear_ibuf [dreg:s7], $0x2FFFF;
	_ =	strace $0x9FFFFFFF  }
0xc3: {  	(tm) =	ssettm $0x7FFFFFFF  }
tec
execute0_lowered:
.L_overlay_start_1:
0x0: {  	(tag) =	ssettag $0x1  }
0x1: {  	s1 =	rddreg [dreg:$0x0]  }
0x2: {  	s0 =	srdreg.scid;
	s5 =	rddreg [dreg:$0x1]  }
0x3: {  	s10 =	stileid.u32;
	s3 =	rddreg [dreg:$0x2];
	s4 =	simm.s32 $0x0  }
0x4: {  	s19 =	simm.s32 $0x1;
	s29 =	simm.s32 $0x8A98;
	s31 =	simm.s32 $0x9E20  }
0x5: {  	s13 =	simm.s32 $0x4;
	s28 =	simm.s32 $0x7;
	s6 =	smul.u32 $0x2800, s10  }
0x6: {  	s30 =	simm.s32 $0x9;
	s0 =	sand.u32 $0x1, s0;
	s7 =	smul.u32 $0x6400, s10  }
0x7: {  	[smem:$0x7FF] =	sst s4;
	s9 =	sadd.s32 $0x1C00, s5;
	s23 =	smul.u32 $0x19000, s10  }
0x8: {  	p1 =	sne.s32 s10, $0xF;
	p2 =	seq.s32 s10, $0xF;
	s2 =	smul.u32 $0x28000, s0  }
0x9: {  	s26 =	sadd.s32 $0xBB80, s1;
	s8 =	smul.u32 $0x64000, s0;
	_ =	strace $0x8000004D  }
0xa: {  	s21 =	ssub.s32 $0x2, s0;
	[dreg:$0x4] =	wrdreg s9;
	p0 =	seq.s32 s0, $0x0  }
0xb: {  	[dreg:$0x7] =	wrdreg s26;
	s26 =	simm.s32 $0x7710;
	s22 =	sshrl.u32 s21, $0x1  }
0xc: {  	p1 =	por !p0, !p1;
	p2 =	por !p0, !p2;
	s25 =	sshrl.u32 s23, $0x2  }
0xd: {  	s9 =	sadd.s32 s7, s3;
	s23 =	simm.s32 $0x5;
	s2 =	sadd.s32 s6, s2  }
0xe: {  	s20 =	sadd.s32 s7, s8;
	p0 =	por !p1, !p1;
	p2 =	por !p2, !p2  }
0xf: {  	s7 =	sshrl.u32 s7, $0x3;
	s2 =	sshrl.u32 s2, $0x3;
	s6 =	sshrl.u32 s20, $0x3  }
0x10: {  	p1 =	por p2, p0;
	s7 =	sadd.s32 s1, s7;
	s18 =	sshrl.u32 @p0 s9, $0x3  }
0x11: {  	s20 =	simm.s32 $0x2;
	s2 =	sadd.s32 s2, s5;
	s5 =	sadd.s32 s6, s5  }
0x12: {  	s6 =	ssub.s32 s21, s22;
	p1 =	seq.s32 @!p1 s0, $0x0;
	s0 =	sadd.s32 $0x5DC00, s3  }
0x13: {  	[dreg:$0x8] =	wrdreg s7;
	s21 =	simm.s32 $0x7D;
	s22 =	simm.s32 $0x5000  }
0x14: {  	s7 =	simm.s32 $0x0;
	s24 =	sadd.s32 $0xD000, s2;
	s2 =	sadd.s32 $0x3000, s2  }
0x15: {  	p1 =	por @!p0 p1, p2;
	s5 =	sadd.s32 $0x17000, s5;
	s12 =	smax.u32 s6, $0x1  }
0x16: {  	p2 =	por !p2, p0;
	s6 =	simm.s32 $0xB;
	[dreg:$0x5] =	wrdreg s24  }
0x17: {  	[dreg:$0x6] =	wrdreg s2;
	s2 =	sadd.s32 s25, s3;
	p1 =	por p1, p0  }
0x18: {  	[dreg:$0x9] =	wrdreg s5;
	s16 =	sshrl.u32 @!p2 s0, $0x3;
	s24 =	simm.s32 $0x6388  }
0x19: {  	s25 =	simm.s32 $0x6;
	s0 =	simm.s32 $0x8;
	s5 =	sshll.u32 @!p1 s10, $0x6  }
0x1a: {  	s15 =	sshrl.u32 @!p1 s2, $0x3;
	s2 =	sshll.u32 @p0 s10, $0x6;
	s14 =	sor.u32 @!p1 $0x1C03, s5  }
0x1b: {  	s17 =	sor.u32 @p0 $0x1C03, s2;
	s2 =	simm.s32 $0x3;
	s5 =	simm.s32 $0xA  }
.LBB2_1:
0x1c: {  	s8 =	rddreg [dreg:$0x5]  }
0x1d: {  	s11 =	rddreg [dreg:$0x6]  }
0x1e: {  	[tilespmem:s4], [sflag:$0x1] =	stream.linear.gather [hbm4b:s8+s4], $0x2800, $0x38;
	[tilespmem:$0x115A8] =	vst v63  }
0x1f: {  	s10 =	simm.s32 $0x2800;
	s8 =	rddreg [dreg:$0x4]  }
0x20: {  	[tilespmem:s10], [sflag:$0x2] =	stream.linear.gather [hbm4b:s11+s4], $0x2800, $0x38;
	[tilespmem:$0x115A8] =	vst v63  }
0x21: {  	[spmem:s15], [sflag:s14] =	dma.local @!p1 [hbm:s8], $0xC80  }
0x22: {  	s8 =	simm.s32 @!p1 $0x3  }
0x23: {  	_ =	swait.ge @!p1 [sflag:s8], $0xC80  }
0x24: {  	[sflag:s8] =	ssyncset.done @!p1 $0x0  }
0x25: {  	s10 =	rddreg [dreg:$0x7];
	[sflag:s8] =	ssyncadd.s32 @!p1 $0xFFFFF380;
	s8 =	simm.s32 @!p2 $0x1FC3  }
0x26: {  	[spmem:s16], [sflag:s8] =	dma.local @!p2 [hbm:s10], $0x7D0  }
0x27: {  	s8 =	simm.s32 @!p2 $0x3  }
0x28: {  	_ =	swait.ge @!p2 [sflag:s8], $0x7D0  }
0x29: {  	[sflag:s8] =	ssyncset.done @!p2 $0x0  }
0x2a: {  	[sflag:s8] =	ssyncadd.s32 @!p2 $0xFFFFF830;
	s8 =	rddreg [dreg:$0x8]  }
0x2b: {  	[spmem:s18], [sflag:s17] =	dma.local @p0 [hbm:s8], $0xC80  }
0x2c: {  	s8 =	simm.s32 @p0 $0x3  }
0x2d: {  	_ =	swait.ge @p0 [sflag:s8], $0xC80  }
0x2e: {  	[sflag:s8] =	ssyncset.done @p0 $0x0  }
0x2f: {  	[sflag:s8] =	ssyncadd.s32 @p0 $0xFFFFF380  }
0x30: {  	_ =	swait.ge [sflag:s19], $0x2800  }
0x31: {  	[sflag:s19] =	ssyncset.done $0x0  }
0x32: {  	[sflag:s19] =	ssyncadd.s32 $0xFFFFD800  }
0x33: {  	_ =	swait.ge [sflag:s20], $0x2800  }
0x34: {  	[sflag:s20] =	ssyncset.done $0x0  }
0x35: {  	[sflag:s20] =	ssyncadd.s32 $0xFFFFD800  }
0x36: {  	[bflag:$0x0] =	sbarrier.arrive $0xFFFF  }
0x37: {  	[tilespmem:s22], [sflag:$0x1] =	stream.indirect.gather [hbm4b:s1+s21], $0x28, s4, s21, $0xb8;
	[tilespmem:$0x115A8] =	vst v63  }
0x38: {  	s11 =	simm.s32 $0x80  }
0x39: {  	[tilespmem:s24], [sflag:$0x2] =	stream.indirect.gather [hbm4b:s1+s21], $0x28, s11, s21, $0xb8;
	[tilespmem:$0x115A8] =	vst v63  }
0x3a: {  	s10 =	simm.s32 $0x100  }
0x3b: {  	[tilespmem:s26], [sflag:$0x3] =	stream.indirect.gather [hbm4b:s1+s21], $0x28, s10, s21, $0xb8;
	[tilespmem:$0x115A8] =	vst v63  }
0x3c: {  	s11 =	simm.s32 $0x180  }
0x3d: {  	[tilespmem:s29], [sflag:$0x4] =	stream.indirect.gather [hbm4b:s1+s21], $0x28, s11, s21, $0xb8;
	[tilespmem:$0x115A8] =	vst v63  }
0x3e: {  	s10 =	simm.s32 $0x200  }
0x3f: {  	[tilespmem:s31], [sflag:$0x5] =	stream.indirect.gather [hbm4b:s1+s21], $0x28, s10, s21, $0xb8;
	[tilespmem:$0x115A8] =	vst v63  }
0x40: {  	_ =	swait.ge [sflag:s19], $0x1388  }
0x41: {  	[sflag:s19] =	ssyncset.done $0x0  }
0x42: {  	s11 =	simm.s32 $0x2800;
	[sflag:s19] =	ssyncadd.s32 $0xFFFFEC78  }
0x43: {  	[spmem:s3] =	stream.indirect.scatter.add.f32 [tilespmem:s22], [sflag:$0x6], $0x28, s11, s21, $0xb8;
	[tilespmem:$0x115A8] =	vst v63  }
0x44: {  	_ =	swait.ge [sflag:s20], $0x1388  }
0x45: {  	[sflag:s20] =	ssyncset.done $0x0  }
0x46: {  	s10 =	simm.s32 $0x2880;
	[sflag:s20] =	ssyncadd.s32 $0xFFFFEC78  }
0x47: {  	[spmem:s3] =	stream.indirect.scatter.add.f32 [tilespmem:s24], [sflag:$0x7], $0x28, s10, s21, $0xb8;
	[tilespmem:$0x115A8] =	vst v63  }
0x48: {  	_ =	swait.ge [sflag:s2], $0x1388  }
0x49: {  	[sflag:s2] =	ssyncset.done $0x0  }
0x4a: {  	s11 =	simm.s32 $0x2900;
	[sflag:s2] =	ssyncadd.s32 $0xFFFFEC78  }
0x4b: {  	[spmem:s3] =	stream.indirect.scatter.add.f32 [tilespmem:s26], [sflag:$0x8], $0x28, s11, s21, $0xb8;
	[tilespmem:$0x115A8] =	vst v63  }
0x4c: {  	_ =	swait.ge [sflag:s13], $0x1388  }
0x4d: {  	[sflag:s13] =	ssyncset.done $0x0  }
0x4e: {  	s10 =	simm.s32 $0x2980;
	[sflag:s13] =	ssyncadd.s32 $0xFFFFEC78  }
0x4f: {  	[spmem:s3] =	stream.indirect.scatter.add.f32 [tilespmem:s29], [sflag:$0x9], $0x28, s10, s21, $0xb8;
	[tilespmem:$0x115A8] =	vst v63  }
0x50: {  	_ =	swait.ge [sflag:s23], $0x1388  }
0x51: {  	[sflag:s23] =	ssyncset.done $0x0  }
0x52: {  	s11 =	simm.s32 $0x2A00;
	[sflag:s23] =	ssyncadd.s32 $0xFFFFEC78  }
0x53: {  	[spmem:s3] =	stream.indirect.scatter.add.f32 [tilespmem:s31], [sflag:$0xA], $0x28, s11, s21, $0xb8;
	[tilespmem:$0x115A8] =	vst v63  }
0x54: {  	_ =	swait.ge [sflag:s25], $0x1388  }
0x55: {  	[sflag:s25] =	ssyncset.done $0x0  }
0x56: {  	s10 =	simm.s32 $0x280;
	[sflag:s25] =	ssyncadd.s32 $0xFFFFEC78  }
0x57: {  	[tilespmem:s22], [sflag:$0x1] =	stream.indirect.gather [hbm4b:s1+s21], $0x28, s10, s21, $0xb8;
	[tilespmem:$0x115A8] =	vst v63  }
0x58: {  	_ =	swait.ge [sflag:s28], $0x1388  }
0x59: {  	[sflag:s28] =	ssyncset.done $0x0  }
0x5a: {  	s11 =	simm.s32 $0x300;
	[sflag:s28] =	ssyncadd.s32 $0xFFFFEC78  }
0x5b: {  	[tilespmem:s24], [sflag:$0x2] =	stream.indirect.gather [hbm4b:s1+s21], $0x28, s11, s21, $0xb8;
	[tilespmem:$0x115A8] =	vst v63  }
0x5c: {  	_ =	swait.ge [sflag:s0], $0x1388  }
0x5d: {  	[sflag:s0] =	ssyncset.done $0x0  }
0x5e: {  	s10 =	simm.s32 $0x380;
	[sflag:s0] =	ssyncadd.s32 $0xFFFFEC78  }
0x5f: {  	[tilespmem:s26], [sflag:$0x3] =	stream.indirect.gather [hbm4b:s1+s21], $0x28, s10, s21, $0xb8;
	[tilespmem:$0x115A8] =	vst v63  }
0x60: {  	_ =	swait.ge [sflag:s30], $0x1388  }
0x61: {  	[sflag:s30] =	ssyncset.done $0x0  }
0x62: {  	s11 =	simm.s32 $0x400;
	[sflag:s30] =	ssyncadd.s32 $0xFFFFEC78  }
0x63: {  	[tilespmem:s29], [sflag:$0x4] =	stream.indirect.gather [hbm4b:s1+s21], $0x28, s11, s21, $0xb8;
	[tilespmem:$0x115A8] =	vst v63  }
0x64: {  	_ =	swait.ge [sflag:s5], $0x1388  }
0x65: {  	[sflag:s5] =	ssyncset.done $0x0  }
0x66: {  	s8 =	simm.s32 $0xA00;
	s10 =	simm.s32 $0x480;
	[sflag:s5] =	ssyncadd.s32 $0xFFFFEC78  }
.LBB2_2:
0x67: {  	[tilespmem:s31], [sflag:$0x5] =	stream.indirect.gather [hbm4b:s1+s21], $0x28, s10, s21, $0xb8;
	[tilespmem:$0x115A8] =	vst v63  }
0x68: {  	s10 =	smov.u32 s8  }
0x69: {  	p3 =	sne.s32 s8, $0x8C00;
	s8 =	sadd.s32 $0xA00, s8;
	_ =	swait.ge [sflag:s19], $0x1388  }
0x6a: {  	s10 =	sshra.s32 s10, $0x2;
	[sflag:s19] =	ssyncset.done $0x0  }
0x6b: {  	s11 =	sadd.s32 $0x2800, s10;
	[sflag:s19] =	ssyncadd.s32 $0xFFFFEC78  }
0x6c: {  	[spmem:s3] =	stream.indirect.scatter.add.f32 [tilespmem:s22], [sflag:$0x6], $0x28, s11, s21, $0xb8;
	[tilespmem:$0x115A8] =	vst v63  }
0x6d: {  	_ =	swait.ge [sflag:s20], $0x1388  }
0x6e: {  	[sflag:s20] =	ssyncset.done $0x0  }
0x6f: {  	s11 =	sadd.s32 $0x2880, s10;
	[sflag:s20] =	ssyncadd.s32 $0xFFFFEC78  }
0x70: {  	[spmem:s3] =	stream.indirect.scatter.add.f32 [tilespmem:s24], [sflag:$0x7], $0x28, s11, s21, $0xb8;
	[tilespmem:$0x115A8] =	vst v63  }
0x71: {  	_ =	swait.ge [sflag:s2], $0x1388  }
0x72: {  	[sflag:s2] =	ssyncset.done $0x0  }
0x73: {  	s11 =	sadd.s32 $0x2900, s10;
	[sflag:s2] =	ssyncadd.s32 $0xFFFFEC78  }
0x74: {  	[spmem:s3] =	stream.indirect.scatter.add.f32 [tilespmem:s26], [sflag:$0x8], $0x28, s11, s21, $0xb8;
	[tilespmem:$0x115A8] =	vst v63  }
0x75: {  	_ =	swait.ge [sflag:s13], $0x1388  }
0x76: {  	[sflag:s13] =	ssyncset.done $0x0  }
0x77: {  	s11 =	sadd.s32 $0x2980, s10;
	[sflag:s13] =	ssyncadd.s32 $0xFFFFEC78  }
0x78: {  	[spmem:s3] =	stream.indirect.scatter.add.f32 [tilespmem:s29], [sflag:$0x9], $0x28, s11, s21, $0xb8;
	[tilespmem:$0x115A8] =	vst v63  }
0x79: {  	_ =	swait.ge [sflag:s23], $0x1388  }
0x7a: {  	[sflag:s23] =	ssyncset.done $0x0  }
0x7b: {  	s11 =	sadd.s32 $0x2A00, s10;
	[sflag:s23] =	ssyncadd.s32 $0xFFFFEC78  }
0x7c: {  	[spmem:s3] =	stream.indirect.scatter.add.f32 [tilespmem:s31], [sflag:$0xA], $0x28, s11, s21, $0xb8;
	[tilespmem:$0x115A8] =	vst v63  }
0x7d: {  	_ =	swait.ge [sflag:s25], $0x1388  }
0x7e: {  	[sflag:s25] =	ssyncset.done $0x0  }
0x7f: {  	s11 =	sadd.s32 $0x280, s10;
	[sflag:s25] =	ssyncadd.s32 $0xFFFFEC78  }
0x80: {  	[tilespmem:s22], [sflag:$0x1] =	stream.indirect.gather [hbm4b:s1+s21], $0x28, s11, s21, $0xb8;
	[tilespmem:$0x115A8] =	vst v63  }
0x81: {  	_ =	swait.ge [sflag:s28], $0x1388  }
0x82: {  	[sflag:s28] =	ssyncset.done $0x0  }
0x83: {  	s11 =	sadd.s32 $0x300, s10;
	[sflag:s28] =	ssyncadd.s32 $0xFFFFEC78  }
0x84: {  	[tilespmem:s24], [sflag:$0x2] =	stream.indirect.gather [hbm4b:s1+s21], $0x28, s11, s21, $0xb8;
	[tilespmem:$0x115A8] =	vst v63  }
0x85: {  	_ =	swait.ge [sflag:s0], $0x1388  }
0x86: {  	[sflag:s0] =	ssyncset.done $0x0  }
0x87: {  	s11 =	sadd.s32 $0x380, s10;
	[sflag:s0] =	ssyncadd.s32 $0xFFFFEC78  }
0x88: {  	[tilespmem:s26], [sflag:$0x3] =	stream.indirect.gather [hbm4b:s1+s21], $0x28, s11, s21, $0xb8;
	[tilespmem:$0x115A8] =	vst v63  }
0x89: {  	_ =	swait.ge [sflag:s30], $0x1388  }
0x8a: {  	[sflag:s30] =	ssyncset.done $0x0  }
.Ltmp0:
0x8b: {  	s11 =	sadd.s32 $0x400, s10;
	[sflag:s30] =	ssyncadd.s32 $0xFFFFEC78;
	(pc) =	sbr.rel @p3 .LBB2_2-.Ltmp0, $4  }
0x8c: {  	[tilespmem:s29], [sflag:$0x4] =	stream.indirect.gather [hbm4b:s1+s21], $0x28, s11, s21, $0xb8;
	[tilespmem:$0x115A8] =	vst v63  }
0x8d: {  	_ =	swait.ge [sflag:s5], $0x1388  }
0x8e: {  	[sflag:s5] =	ssyncset.done $0x0  }
0x8f: {  	s10 =	sadd.s32 $0x480, s10;
	[sflag:s5] =	ssyncadd.s32 $0xFFFFEC78  }
0x90: {  	[tilespmem:s31], [sflag:$0x5] =	stream.indirect.gather [hbm4b:s1+s21], $0x28, s10, s21, $0xb8;
	[tilespmem:$0x115A8] =	vst v63  }
0x91: {  	_ =	swait.ge [sflag:s19], $0x1388  }
0x92: {  	[sflag:s19] =	ssyncset.done $0x0  }
0x93: {  	s8 =	simm.s32 $0x4D80;
	[sflag:s19] =	ssyncadd.s32 $0xFFFFEC78  }
0x94: {  	[spmem:s3] =	stream.indirect.scatter.add.f32 [tilespmem:s22], [sflag:$0x6], $0x28, s8, s21, $0xb8;
	[tilespmem:$0x115A8] =	vst v63  }
0x95: {  	_ =	swait.ge [sflag:s20], $0x1388  }
0x96: {  	[sflag:s20] =	ssyncset.done $0x0  }
0x97: {  	s11 =	simm.s32 $0x4E00;
	[sflag:s20] =	ssyncadd.s32 $0xFFFFEC78  }
0x98: {  	[spmem:s3] =	stream.indirect.scatter.add.f32 [tilespmem:s24], [sflag:$0x7], $0x28, s11, s21, $0xb8;
	[tilespmem:$0x115A8] =	vst v63  }
0x99: {  	_ =	swait.ge [sflag:s2], $0x1388  }
0x9a: {  	[sflag:s2] =	ssyncset.done $0x0  }
0x9b: {  	s10 =	simm.s32 $0x4E80;
	[sflag:s2] =	ssyncadd.s32 $0xFFFFEC78  }
0x9c: {  	[spmem:s3] =	stream.indirect.scatter.add.f32 [tilespmem:s26], [sflag:$0x8], $0x28, s10, s21, $0xb8;
	[tilespmem:$0x115A8] =	vst v63  }
0x9d: {  	_ =	swait.ge [sflag:s13], $0x1388  }
0x9e: {  	[sflag:s13] =	ssyncset.done $0x0  }
0x9f: {  	s11 =	simm.s32 $0x4F00;
	[sflag:s13] =	ssyncadd.s32 $0xFFFFEC78  }
0xa0: {  	[spmem:s3] =	stream.indirect.scatter.add.f32 [tilespmem:s29], [sflag:$0x9], $0x28, s11, s21, $0xb8;
	[tilespmem:$0x115A8] =	vst v63  }
0xa1: {  	_ =	swait.ge [sflag:s23], $0x1388  }
0xa2: {  	[sflag:s23] =	ssyncset.done $0x0  }
0xa3: {  	s10 =	simm.s32 $0x4F80;
	[sflag:s23] =	ssyncadd.s32 $0xFFFFEC78  }
0xa4: {  	[spmem:s3] =	stream.indirect.scatter.add.f32 [tilespmem:s31], [sflag:$0xA], $0x28, s10, s21, $0xb8;
	[tilespmem:$0x115A8] =	vst v63  }
0xa5: {  	_ =	swait.ge [sflag:s25], $0x1388  }
0xa6: {  	[sflag:s25] =	ssyncset.done $0x0  }
0xa7: {  	[sflag:s25] =	ssyncadd.s32 $0xFFFFEC78  }
0xa8: {  	_ =	swait.ge [sflag:s28], $0x1388  }
0xa9: {  	[sflag:s28] =	ssyncset.done $0x0  }
0xaa: {  	[sflag:s28] =	ssyncadd.s32 $0xFFFFEC78  }
0xab: {  	_ =	swait.ge [sflag:s0], $0x1388  }
0xac: {  	[sflag:s0] =	ssyncset.done $0x0  }
0xad: {  	[sflag:s0] =	ssyncadd.s32 $0xFFFFEC78  }
0xae: {  	_ =	swait.ge [sflag:s30], $0x1388  }
0xaf: {  	[sflag:s30] =	ssyncset.done $0x0  }
0xb0: {  	[sflag:s30] =	ssyncadd.s32 $0xFFFFEC78  }
0xb1: {  	_ =	swait.ge [sflag:s5], $0x1388  }
0xb2: {  	s11 =	stileid.u32;
	[sflag:s5] =	ssyncset.done $0x0  }
0xb3: {  	s7 =	sadd.s32 $0x1, s7;
	s8 =	sshll.u32 s11, $0x6;
	[sflag:s5] =	ssyncadd.s32 $0xFFFFEC78  }
0xb4: {  	p3 =	sne.s32 s7, s12;
	s8 =	sor.u32 $0x1C0B, s8;
	[bflag:$0x0] =	sbarrier.arrive $0xFFFF  }
.Ltmp1:
0xb5: {  	s10 =	sshrl.u32 s9, $0x3;
	s11 =	rddreg [dreg:$0x9];
	(pc) =	sbr.rel @p3 .LBB2_1-.Ltmp1, $4  }
0xb6: {  	[hbm:s11], [sflag:s8] =	dma.local [spmem:s10], $0xC80  }
0xb7: {  	_ =	swait.ge [sflag:s6], $0xC80  }
0xb8: {  	[sflag:s6] =	ssyncset.done $0x0  }
0xb9: {  	[sflag:s6] =	ssyncadd.s32 $0xFFFFF380  }
0xba: {  	_ =	sfence.sel $0x180000  }
0xbb: {  	[bflag:$0x0] =	sbarrier.arrive $0xFFFF  }
0xbc: {  	_ =	strace $0x9000004D  }
0xbd: {  	s0 =	stileid.u32;
	[bflag:$0x2] =	sbarrier.arrive $0xFFFF  }
0xbe: {  	p0 =	sne.s32 s0, $0x0;
	s0 =	rddreg [dreg:$0x3]  }
0xbf: {  	s0 =	sadd.s32 @!p0 $0x100000, s0  }
0xc0: {  	[sflag:s0] =	ssyncadd.tile.s32 @!p0 $0x1;
	_ =	shalt  }
.Lfunc_end2:
_tile_overlayer_lowered:
.L_overlay_start_2:
0xc1: {  	(tag) =	ssettag $0x2  }
0xc2: {  	s0 =	rddreg [dreg:$0x0];
	s2 =	stileid.u32  }
0xc3: {  	s1 =	rddreg [dreg:$0x1];
	p0 =	sne.s32 s2, $0x0  }
0xc4: {  	s3 =	rddreg [dreg:$0x2];
	[bflag:$0x3] =	sbarrier.arrive $0xFFFF;
	s2 =	simm.s32 @!p0 $0x1C0B  }
0xc5: {  	[timem:s3], [sflag:s2] =	dma.local @!p0 [hbm:s0], s1  }
0xc6: {  	s0 =	simm.s32 @!p0 $0xB  }
0xc7: {  	_ =	swait.ge @!p0 [sflag:s0], s1  }
0xc8: {  	s1 =	ssub.s32 @!p0 $0x0, s1;
	[sflag:s0] =	ssyncset.done @!p0 $0x0  }
0xc9: {  	[sflag:s0] =	ssyncadd.s32 @!p0 s1  }
0xca: {  	[bflag:$0x3] =	sbarrier.arrive $0xFFFF  }
0xcb: {  	_ =	shalt  }

// kernel: kernel.9.cloned.1.call-start
scs
__scs_entry_jumppad:
0x0: {  	(pc) =	sbr.rel $0x88, $3  }
0x1: {  	(tag) =	ssettag $0x0;
	lr =	simm.s32 $0x1  }
0x2: {  	[smem:$0x3F9B] =	sst lr;
	_ =	strace $0xD0000000  }
0x3: {  	_ = 	snop  }
0x4: {  	_ = 	snop  }
0x5: {  	_ = 	snop  }
0x6: {  	_ = 	snop  }
0x7: {  	_ = 	snop  }
__scs_overlays_trampoline_lowered:
0x8: {  	[smem:$0x3FAA] =	sst s0  }
0x9: {  	[smem:$0x3FAB] =	sst s1  }
0xa: {  	[smem:$0x3FAC] =	sst s2  }
0xb: {  	[smem:$0x3FAD] =	sst s3  }
0xc: {  	[smem:$0x3FAE] =	sst s4  }
0xd: {  	[smem:$0x3FAF] =	sst s5  }
0xe: {  	[smem:$0x3FB0] =	sst s6  }
0xf: {  	[smem:$0x3FB1] =	sst s7  }
0x10: {  	[smem:$0x3FB2] =	sst s8  }
0x11: {  	[smem:$0x3FB3] =	sst s9;
	s0 =	simm.s32 @!p0 $0x0  }
0x12: {  	s1 =	sld [smem:$0x3F99];
	s0 =	simm.s32 @p0 $0x1  }
0x13: {  	[smem:$0x3FB4] =	sst s0;
	s0 =	simm.s32 @!p1 $0x0  }
0x14: {  	s2 =	sld [smem:$0x3F98];
	s0 =	simm.s32 @p1 $0x1  }
0x15: {  	[smem:$0x3FB5] =	sst s0;
	s0 =	simm.s32 @!p2 $0x0  }
0x16: {  	s3 =	sld [smem:$0x3FDB];
	s0 =	simm.s32 @p2 $0x1  }
0x17: {  	s4 =	simm.s32 $0x1BF5;
	[smem:$0x3FB7] =	sst s0  }
0x18: {  	s0 =	sld [smem:$0x3F9A];
	_ =	swait.ge [sflag:s4], $0x0  }
0x19: {  	s7 =	sld [smem:$0x3F9B]  }
0x1a: {  	s8 =	sadd.s32 $0xFFFFE003, lr  }
0x1b: {  	s9 =	sadd.s32 $0xFFFFFEF7, lr;
	s5 =	simm.s32 $0xFFFFFFFF;
	p2 =	slt.u32 s8, $0xFFFFF086  }
0x1c: {  	p1 =	slt.u32 s9, $0xF7A;
	s5 =	simm.s32 @!p2 $0x0  }
0x1d: {  	s5 =	simm.s32 @p1 $0x1;
	p0 =	seq.s32 s7, s2  }
0x1e: {  	s7 =	smul.u32 @!p0 $0xF7A, s2;
	p2 =	seq.s32 @!p0 s5, $0x0  }
0x1f: {  	s9 =	smul.u32 $0xF7A, s1;
	s8 =	simm.s32 @!p0 $0x1BF5;
	p2 =	por !p2, p0  }
0x20: {  	[sflag:s8] =	ssyncset.s32 @!p0 $0xFFFFF086;
	s6 =	sadd.s32 @!p0 s3, s7;
	s7 =	simm.s32 @!p0 $0x108  }
0x21: {  	s3 =	sadd.s32 s3, s9;
	s6 =	sadd.s32 @!p0 $0x88, s6;
	s7 =	simm.s32 @p2 $0x1082  }
0x22: {  	[simem:s7], [sflag:s8] =	dma.local @!p0 [hbm:s6], $0xF7A  }
0x23: {  	s9 =	sor.u32 $0xD0000000, s2;
	s6 =	simm.s32 $0x108;
	_ =	swait.ge @!p0 [sflag:s8], $0x0  }
0x24: {  	s3 =	sadd.s32 $0x88, s3;
	s6 =	simm.s32 @!p1 $0x1082;
	[sflag:s4] =	ssyncset.s32 $0xFFFFF086  }
0x25: {  	[simem:s6], [sflag:s4] =	dma.local [hbm:s3], $0xF7A  }
0x26: {  	[smem:$0x3F9B] =	sst s1;
	(tag) =	ssettag s2;
	_ =	strace s9  }
0x27: {  	s1 =	sld [smem:$0x3FAB]  }
0x28: {  	s2 =	sld [smem:$0x3FAC]  }
0x29: {  	s4 =	sld [smem:$0x3FAE]  }
0x2a: {  	p0 =	seq.s32 s5, $0x0;
	s5 =	sld [smem:$0x3FAF]  }
0x2b: {  	s6 =	sld [smem:$0x3FB0]  }
0x2c: {  	s7 =	sld [smem:$0x3FB1]  }
0x2d: {  	s3 =	simm.s32 $0x108;
	s8 =	sld [smem:$0x3FB2]  }
0x2e: {  	s3 =	simm.s32 @!p0 $0x1082;
	s9 =	sld [smem:$0x3FB3]  }
0x2f: {  	lr =	sadd.s32 s0, s3;
	s0 =	sld [smem:$0x3FAA]  }
0x30: {  	s3 =	sld [smem:$0x3FAD]  }
0x31: {  	[smem:$0x3FB6] =	sst s10  }
0x32: {  	s10 =	sld [smem:$0x3FB4];
	_ =	sdelay $0x3  }
0x33: {  	p0 =	seq.s32 s10, $0x1;
	s10 =	sld [smem:$0x3FB6];
	_ =	sdelay $0x3  }
0x34: {  	[smem:$0x3FB6] =	sst s10  }
0x35: {  	s10 =	sld [smem:$0x3FB5];
	_ =	sdelay $0x3  }
0x36: {  	p1 =	seq.s32 s10, $0x1;
	s10 =	sld [smem:$0x3FB6];
	_ =	sdelay $0x3  }
0x37: {  	[smem:$0x3FB6] =	sst s10  }
0x38: {  	s10 =	sld [smem:$0x3FB7]  }
0x39: {  	_ = 	snop;
	(pc) =	sbr.ind lr, $3  }
0x3a: {  	_ = 	snop  }
0x3b: {  	_ = 	snop  }
0x3c: {  	p2 =	seq.s32 s10, $0x1;
	s10 =	sld [smem:$0x3FB6]  }
0x3d: {  	_ =	shalt  }
0x3e: {  	_ =	shalt  }
0x3f: {  	_ =	shalt  }
0x40: {  	_ =	shalt  }
0x41: {  	_ =	shalt  }
0x42: {  	_ =	shalt  }
0x43: {  	_ =	shalt  }
0x44: {  	_ =	shalt  }
0x45: {  	_ =	shalt  }
0x46: {  	_ =	shalt  }
0x47: {  	_ =	shalt  }
0x48: {  	_ =	shalt  }
0x49: {  	_ =	shalt  }
0x4a: {  	_ =	shalt  }
0x4b: {  	_ =	shalt  }
0x4c: {  	_ =	shalt  }
0x4d: {  	_ =	shalt  }
0x4e: {  	_ =	shalt  }
0x4f: {  	_ =	shalt  }
0x50: {  	_ =	shalt  }
0x51: {  	_ =	shalt  }
0x52: {  	_ =	shalt  }
0x53: {  	_ =	shalt  }
0x54: {  	_ =	shalt  }
0x55: {  	_ =	shalt  }
0x56: {  	_ =	shalt  }
0x57: {  	_ =	shalt  }
0x58: {  	_ =	shalt  }
0x59: {  	_ =	shalt  }
0x5a: {  	_ =	shalt  }
0x5b: {  	_ =	shalt  }
0x5c: {  	_ =	shalt  }
0x5d: {  	_ =	shalt  }
0x5e: {  	_ =	shalt  }
0x5f: {  	_ =	shalt  }
0x60: {  	_ =	shalt  }
0x61: {  	_ =	shalt  }
0x62: {  	_ =	shalt  }
0x63: {  	_ =	shalt  }
0x64: {  	_ =	shalt  }
0x65: {  	_ =	shalt  }
0x66: {  	_ =	shalt  }
0x67: {  	_ =	shalt  }
0x68: {  	_ =	shalt  }
0x69: {  	_ =	shalt  }
0x6a: {  	_ =	shalt  }
0x6b: {  	_ =	shalt  }
0x6c: {  	_ =	shalt  }
0x6d: {  	_ =	shalt  }
0x6e: {  	_ =	shalt  }
0x6f: {  	_ =	shalt  }
0x70: {  	_ =	shalt  }
0x71: {  	_ =	shalt  }
0x72: {  	_ =	shalt  }
0x73: {  	_ =	shalt  }
0x74: {  	_ =	shalt  }
0x75: {  	_ =	shalt  }
0x76: {  	_ =	shalt  }
0x77: {  	_ =	shalt  }
0x78: {  	_ =	shalt  }
0x79: {  	_ =	shalt  }
0x7a: {  	_ =	shalt  }
0x7b: {  	_ =	shalt  }
0x7c: {  	_ =	shalt  }
0x7d: {  	_ =	shalt  }
0x7e: {  	_ =	shalt  }
0x7f: {  	_ =	shalt  }
0x80: {  	_ =	shalt  }
0x81: {  	_ =	shalt  }
0x82: {  	_ =	shalt  }
0x83: {  	_ =	shalt  }
0x84: {  	_ =	shalt  }
0x85: {  	_ =	shalt  }
0x86: {  	_ =	shalt  }
0x87: {  	_ =	shalt  }
.Lfunc_end0:
.L_simem_size_0:
called_computation_lowered:
.L_overlay_start_0:
0x88: {  	s2 =	sld [smem:$0x3FD9]  }
0x89: {  	s3 =	sld [smem:$0x3FFE];
	_ =	sdelay $0x1  }
0x8a: {  	s1 =	srdreg.scid  }
0x8b: {  	s0 =	sand.u32 $0x1, s1  }
0x8c: {  	s16 =	sshll.u32 s0, $0xA;
	s2 =	sadd.s32 s3, s2  }
0x8d: {  	s2 =	sadd.s32 s2, s16  }
0x8e: {  	[smem:$0x3FC2] =	sst s2  }
0x8f: {  	_ = 	snop  }
0x90: {  	(tm) =	ssettm $0x1  }
0x91: {  	s17 =	sld [smem:$0x3FFB];
	_ =	sdelay $0x3  }
0x92: {  	_ =	strace s17  }
0x93: {  	s2 =	sld [smem:$0x3FFC];
	_ =	sdelay $0x3  }
0x94: {  	_ =	strace s2  }
0x95: {  	s2 =	sld [smem:$0x3FFD];
	_ =	sdelay $0x3  }
0x96: {  	_ =	strace s2  }
0x97: {  	_ =	strace $0x8FFFFFFF  }
0x98: {  	s18 =	sld [smem:$0x3FDB];
	_ =	sdelay $0x1  }
0x99: {  	s19 =	simm.s32 $_scs_section_size  }
0x9a: {  	s4 =	simm.s32 $_size__tile_overlayer_lowered;
	s5 =	simm.s32 $_tile_overlayer_lowered  }
0x9b: {  	s22 =	simm.s32 $0x1BFF;
	s21 =	sshll.u32 s5, $0x1;
	s2 =	sadd.s32 s19, s18  }
0x9c: {  	s6 =	simm.s32 $0x0;
	s20 =	sshll.u32 s4, $0x1;
	s4 =	sadd.s32 s21, s2  }
0x9d: {  	[timem:s6], [sflag:s22] =	dma.local [hbm:s4], s20  }
0x9e: {  	_ =	swait.ge [sflag:s22], s20  }
0x9f: {  	s3 =	ssub.s32 $0x0, s20;
	[sflag:s22] =	ssyncset.done $0x0  }
0xa0: {  	[sflag:s22] =	ssyncadd.s32 s3;
	_ =	sdelay $0x1  }
0xa1: {  	s23 =	simm.s32 $0x1B8B  }
0xa2: {  	_ =	swait.ge [sflag:s23], $0x1  }
0xa3: {  	[sflag:s23] =	ssyncset.done $0x0  }
0xa4: {  	s25 =	simm.s32 $0x1B8E;
	s24 =	sld [smem:$0x3FFE];
	[sflag:s23] =	ssyncadd.s32 $0xFFFFFFFF  }
0xa5: {  	s26 =	simm.s32 $execute0_lowered;
	[smem:$0x3FD2] =	sst s25  }
0xa6: {  	s4 =	sshll.u32 s26, $0x1;
	_ =	strace $0x80000046;
	[dreg:$0x1] =	wrdreg $0xFFFFFFFF  }
0xa7: {  	s28 =	simm.s32 $_size_execute0_lowered;
	s2 =	sadd.s32 s2, s4;
	[dreg:$0x0] =	wrdreg $0x0  }
0xa8: {  	s4 =	sshll.u32 s28, $0x1;
	[dreg:$0x2] =	wrdreg s2  }
0xa9: {  	[dreg:$0x3] =	wrdreg s4  }
0xaa: {  	[dreg:$0x4] =	wrdreg $0xC0  }
0xab: {  	_ =	task [dreg:s6], $0x5FFFF  }
0xac: {  	[dreg:$0x1] =	wrdreg $0xFFFFFFFF  }
0xad: {  	[dreg:$0x0] =	wrdreg $0x60  }
0xae: {  	[dreg:$0x2] =	wrdreg s24  }
0xaf: {  	[dreg:$0x3] =	wrdreg $0x9  }
0xb0: {  	_ =	task.clear_ibuf [dreg:s6], $0x4FFFF;
	_ =	strace $0x90000046  }
0xb1: {  	s29 =	simm.s32 $0x9;
	_ =	strace $0x80000048  }
0xb2: {  	_ =	swait.ge [sflag:s29], $0x1  }
0xb3: {  	[sflag:s29] =	ssyncadd.s32 $0xFFFFFFFF  }
0xb4: {  	_ =	strace $0x90000048  }
0xb5: {  	_ =	sfence  }
0xb6: {  	s30 =	sld [smem:$0x0];
	_ =	sdelay $0x2  }
0xb7: {  	s31 =	sshll.u32 s1, $0xD;
	s1 =	sshrl.u32 s1, $0x2  }
0xb8: {  	s3 =	sand.u32 $0x4000, s31;
	s1 =	sadd.s32 s1, s30  }
0xb9: {  	s0 =	sor.u32 s3, s0;
	s1 =	sshll.u32 s1, $0x11  }
0xba: {  	s0 =	sor.u32 s1, s0  }
0xbb: {  	s0 =	sadd.s32 $0x8F2B, s0  }
0xbc: {  	[sflag:s0] =	ssyncadd.remote.s32 $0x1  }
0xbd: {  	_ =	sfence.sel $0xFFFF  }
0xbe: {  	[dreg:$0x0] =	wrdreg $0xFFFFFFFF;
	(pc) =	sbr.abs _section_cstart, $3  }
0xbf: {  	[dreg:$0x1] =	wrdreg $0xFFFFFFFF  }
0xc0: {  	_ =	task.clear_ibuf [dreg:s6], $0x2FFFF;
	_ =	strace $0x9FFFFFFF  }
0xc1: {  	(tm) =	ssettm $0x7FFFFFFF  }
tec
execute0_lowered:
.L_overlay_start_1:
0x0: {  	(tag) =	ssettag $0x1  }
0x1: {  	s3 =	rddreg [dreg:$0x0];
	s1 =	srdreg.scid  }
0x2: {  	s0 =	rddreg [dreg:$0x1];
	s4 =	sand.u32 $0x1, s1  }
0x3: {  	s2 =	simm.s32 $0x0;
	s1 =	stileid.u32;
	s5 =	smul.u32 $0x27100, s4  }
0x4: {  	s8 =	simm.s32 $0x2;
	s6 =	sshll.u32 s4, $0x4;
	s7 =	smul.u32 $0x2710, s1  }
0x5: {  	s9 =	simm.s32 $0x0;
	[smem:$0x7FF] =	sst s2;
	s6 =	sor.u32 s1, s6  }
0x6: {  	s4 =	ssub.s32 $0x2, s4;
	s6 =	smul.u32 $0x2710, s6;
	s5 =	sadd.s32 s7, s5  }
0x7: {  	_ =	strace $0x80000047;
	s31 =	sshrl.u32 s4, $0x1;
	s5 =	sshrl.u32 s5, $0x3  }
0x8: {  	s7 =	ssub.s32 s4, s31;
	s6 =	sshrl.u32 s6, $0x3;
	s5 =	sadd.s32 s5, s3  }
0x9: {  	s6 =	sadd.s32 s3, s6;
	s4 =	sadd.s32 $0x15600, s5;
	s5 =	smax.u32 s7, $0x1  }
0xa: {  	v0 =	vimm.f32 $0.0e+00;
	v1 =	vimm.f32 $1.000000000e+00;
	s7 =	simm.s32 $0x2710;
	s3 =	sadd.s32 $0xB840, s6;
	s6 =	simm.s32 $0x1  }
.LBB2_1:
0xb: {  	[tilespmem:s2], [sflag:$0x1] =	stream.linear.gather [hbm4b:s3+s2], $0x2710, $0x38;
	[tilespmem:$0x4E20] =	vst v63  }
0xc: {  	s10 =	simm.s32 $0x40;
	s11 =	simm.s32 $0x0  }
.LBB2_2:
0xd: {  	p0 =	sne.s32 s10, $0x9C00;
	[tilespmem:s11+$0x2710] =	vst v0;
	s11 =	smov.u32 s10;
	s10 =	sadd.s32 $0x40, s10  }
.Ltmp0:
0xe: {  	(pc) =	sbr.rel @p0 .LBB2_2-.Ltmp0, $2  }
0xf: {  	_ =	sdelay $0x2  }
0x10: {  	s11 =	sshra.s32 s11, $0x2  }
0x11: {  	[tilespmem:s11+$0x2710] =	vst v0  }
0x12: {  	_ =	swait.ge [sflag:s6], $0x2710  }
0x13: {  	[sflag:s6] =	ssyncset.done $0x0  }
0x14: {  	s11 =	simm.s32 $0x0;
	s10 =	simm.s32 $0x40;
	[sflag:s6] =	ssyncadd.s32 $0xFFFFD8F0  }
.LBB2_4:
0x15: {  	p0 =	sne.s32 s10, $0x9C00;
	v2 =	vld [tilespmem:s11+$0x0];
	_ =	sdelay $0x3  }
.Ltmp1:
0x16: {  	(pc) =	sbr.rel @p0 .LBB2_4-.Ltmp1, $2  }
0x17: {  	_ =	sdelay $0x2  }
0x18: {  	s11 =	sshra.s32 s10, $0x2;
	s10 =	sadd.s32 $0x40, s10;
	[tilespmem:v2+s7+$0x0] =	vst.idx.add.f32.msk $0xffff, v1  }
0x19: {  	v2 =	vld [tilespmem:s11+$0x0];
	_ =	sdelay $0x5  }
0x1a: {  	s9 =	sadd.s32 $0x1, s9  }
0x1b: {  	p0 =	sne.s32 s9, s5  }
.Ltmp2:
0x1c: {  	[tilespmem:v2+s7+$0x0] =	vst.idx.add.f32.msk $0xffff, v1;
	(pc) =	sbr.rel @p0 .LBB2_1-.Ltmp2, $4  }
0x1d: {  	[hbm4b:s4+s2] =	stream.linear.scatter [tilespmem:s7], [sflag:$0x2], $0x2710, $0x38;
	[tilespmem:$0x4E20] =	vst v63  }
0x1e: {  	_ =	swait.ge [sflag:s8], $0x2710  }
0x1f: {  	[sflag:s8] =	ssyncset.done $0x0  }
0x20: {  	[sflag:s8] =	ssyncadd.s32 $0xFFFFD8F0  }
0x21: {  	_ =	sfence.sel $0x180000  }
0x22: {  	[bflag:$0x0] =	sbarrier.arrive $0xFFFF  }
0x23: {  	p0 =	sne.s32 s1, $0x0;
	_ =	strace $0x90000047  }
0x24: {  	s0 =	sadd.s32 @!p0 $0x100000, s0;
	[bflag:$0x2] =	sbarrier.arrive $0xFFFF  }
0x25: {  	[sflag:s0] =	ssyncadd.tile.s32 @!p0 $0x1;
	_ =	shalt  }
.Lfunc_end2:
_tile_overlayer_lowered:
.L_overlay_start_2:
0x26: {  	(tag) =	ssettag $0x2  }
0x27: {  	s0 =	rddreg [dreg:$0x0];
	s2 =	stileid.u32  }
0x28: {  	s1 =	rddreg [dreg:$0x1];
	p0 =	sne.s32 s2, $0x0  }
0x29: {  	s3 =	rddreg [dreg:$0x2];
	[bflag:$0x3] =	sbarrier.arrive $0xFFFF;
	s2 =	simm.s32 @!p0 $0x1C02  }
0x2a: {  	[timem:s3], [sflag:s2] =	dma.local @!p0 [hbm:s0], s1  }
0x2b: {  	s0 =	simm.s32 @!p0 $0x2  }
0x2c: {  	_ =	swait.ge @!p0 [sflag:s0], s1  }
0x2d: {  	s1 =	ssub.s32 @!p0 $0x0, s1;
	[sflag:s0] =	ssyncset.done @!p0 $0x0  }
0x2e: {  	[sflag:s0] =	ssyncadd.s32 @!p0 s1  }
0x2f: {  	[bflag:$0x3] =	sbarrier.arrive $0xFFFF  }
0x30: {  	_ =	shalt  }

</sc_bundles>
